<compile_context>
chip_gen: v7x
topology: tpu7x:2x2x1
jax: 0.10.2.dev20260603
libtpu: 0.0.44.dev20260713+nightly
codegen_flags: <defaults>
</compile_context>

<pallas_src>
import functools

import jax
import jax.numpy as jnp
from jax import lax
from jax.experimental import pallas as pl
from jax.experimental.pallas import tpu as pltpu
from jax.experimental.pallas import tpu_sc as plsc

IN_DIM = 256
OUT_DIM = 512
MEM_LEN = 65536

NC = 2
NS = 16
NW = NC * NS
NLANE = 16
NJ = OUT_DIM // NLANE

CHUNK = 64
NBUF = 2
CHUNK_WORDS = CHUNK * OUT_DIM

SC_ROWS = 12288
SC_ROWS_PER_W = SC_ROWS // NW
SC_NCHUNKS = SC_ROWS_PER_W // CHUNK

TC_ROWS = MEM_LEN - SC_ROWS
TC_BLOCK = 4096


def _encoder_body(x_ref, mean_ref, std_ref, wt_ref, b_ref, e_ref):
    x = x_ref[...]
    mean = mean_ref[...]
    std = std_ref[...]
    new = (x - mean) / std
    new = jnp.where(std == 0, jnp.zeros_like(new), new)
    acc = jnp.dot(new, wt_ref[...], preferred_element_type=jnp.float32)
    e_ref[...] = jnp.tanh(acc + b_ref[...])


def _tc_dist_body(e_ref, mem_ref, out_ref, minacc):
    i = pl.program_id(0)

    @pl.when(i == 0)
    def _init():
        minacc[0] = jnp.float32(jnp.inf)

    e = e_ref[...]
    blk = mem_ref[...]
    dists = jnp.sum(jnp.abs(blk - e), axis=1)
    minacc[0] = jnp.minimum(minacc[0], jnp.min(dists))

    @pl.when(i == pl.num_programs(0) - 1)
    def _fin():
        out_ref[0] = minacc[0]


_GATHER_DNUMS = lax.GatherDimensionNumbers(
    offset_dims=(), collapsed_slice_dims=(0,), start_index_map=(0,)
)


def _rotate(v, idx):
    return lax.gather(
        v,
        idx[:, None],
        _GATHER_DNUMS,
        (1,),
        mode=lax.GatherScatterMode.PROMISE_IN_BOUNDS,
    )


def _rot_idx():
    lanes = lax.iota(jnp.int32, NLANE)
    return [(lanes + k) & (NLANE - 1) for k in (8, 4, 2, 1)]


def _scan_chunk(buf, e_chunks, rot_idx, minv):
    NA = 4

    def row_body(r, m):
        accs = [
            jnp.abs(buf[r, pl.ds(k * NLANE, NLANE)] - e_chunks[k])
            for k in range(NA)
        ]
        for j in range(NA, NJ):
            k = j % NA
            accs[k] = accs[k] + jnp.abs(
                buf[r, pl.ds(j * NLANE, NLANE)] - e_chunks[j]
            )
        acc = (accs[0] + accs[1]) + (accs[2] + accs[3])
        for idx in rot_idx:
            acc = acc + _rotate(acc, idx)
        return jnp.minimum(m, acc)

    return plsc.parallel_loop(0, CHUNK, carry=minv, unroll=2)(row_body)


def _sc_body(e_hbm, mem_hbm, out_hbm, e_v, bufs, outv, sems):
    wid = lax.axis_index("s") * NC + lax.axis_index("c")
    base = wid * SC_ROWS_PER_W

    pltpu.sync_copy(e_hbm, e_v)
    e_chunks = [e_v[pl.ds(j * NLANE, NLANE)] for j in range(NJ)]
    rot_idx = _rot_idx()

    def start(chunk_idx, b):
        src = mem_hbm.at[pl.ds(base + chunk_idx * CHUNK, CHUNK)]
        pltpu.make_async_copy(src, bufs[b], sems[b]).start()

    def wait(b):
        src = mem_hbm.at[pl.ds(0, CHUNK)]
        pltpu.make_async_copy(src, bufs[b], sems[b]).wait()

    for b in range(NBUF):
        start(b, b)

    def group_body(g, mv):
        c0 = g * NBUF
        for b in range(NBUF):
            wait(b)
            mv = _scan_chunk(bufs[b], e_chunks, rot_idx, mv)

            @pl.when(c0 + b + NBUF < SC_NCHUNKS)
            def _nxt():
                start(c0 + b + NBUF, b)

        return mv

    mv = lax.fori_loop(
        0, SC_NCHUNKS // NBUF, group_body, jnp.full((NLANE,), jnp.inf, jnp.float32)
    )

    outv[...] = mv
    pltpu.sync_copy(outv, out_hbm.at[wid])


def _sc_body_wrap(e_hbm, mem_hbm, out_hbm, e_v, *rest):
    bufs = rest[:NBUF]
    outv = rest[NBUF]
    sems = rest[NBUF + 1 :]
    return _sc_body(e_hbm, mem_hbm, out_hbm, e_v, bufs, outv, sems)


_sc_dist = functools.partial(
    pl.kernel,
    out_type=jax.ShapeDtypeStruct((NW, NLANE), jnp.float32),
    mesh=plsc.VectorSubcoreMesh(core_axis_name="c", subcore_axis_name="s"),
    scratch_types=(
        [pltpu.VMEM((OUT_DIM,), jnp.float32)]
        + [pltpu.VMEM((CHUNK, OUT_DIM), jnp.float32) for _ in range(NBUF)]
        + [pltpu.VMEM((NLANE,), jnp.float32)]
        + [pltpu.SemaphoreType.DMA for _ in range(NBUF)]
    ),
)(_sc_body_wrap)


def kernel(x, memory, mean, std, W_enc, b_enc):
    xf = x.reshape(1, IN_DIM)
    mean2 = mean.reshape(1, IN_DIM)
    std2 = std.reshape(1, IN_DIM)
    wt = W_enc.T
    b2 = b_enc.reshape(1, OUT_DIM)

    e = pl.pallas_call(
        _encoder_body,
        out_shape=jax.ShapeDtypeStruct((1, OUT_DIM), jnp.float32),
    )(xf, mean2, std2, wt, b2)

    sc_partials = _sc_dist(e.reshape(OUT_DIM), memory)

    tc_off = SC_ROWS // TC_BLOCK
    tc_min = pl.pallas_call(
        _tc_dist_body,
        grid=(TC_ROWS // TC_BLOCK,),
        in_specs=[
            pl.BlockSpec((1, OUT_DIM), lambda i: (0, 0)),
            pl.BlockSpec((TC_BLOCK, OUT_DIM), lambda i: (i + tc_off, 0)),
        ],
        out_specs=pl.BlockSpec(memory_space=pltpu.SMEM),
        out_shape=jax.ShapeDtypeStruct((1,), jnp.float32),
        scratch_shapes=[pltpu.SMEM((1,), jnp.float32)],
    )(e, memory)

    return jnp.minimum(jnp.min(sc_partials), tc_min[0])

# --- scband reference (transcript-rebuilt; emitter-appended) ---
"""Pipeline reference for scband-mem-stream-14817637171598 (READ-ONLY COPY).

The authoritative reference and input builder live on the scoring server;
editing this copy changes nothing except your own understanding.
"""

import jax, jax.numpy as jnp
import numpy as np

IN_DIM = 256
OUT_DIM = IN_DIM * 2
MEM_LEN = 65536


def setup_inputs(seed: int = 0) -> dict:
    key = jax.random.key(seed)
    k_x, k_mem, k_memdata, k_w, k_std = jax.random.split(key, 5)
    x = jax.random.normal(k_x, (1, IN_DIM), dtype=jnp.float32)
    # Persistent memory bank of encoded states (randn init, as in __init__)
    memory = jax.random.normal(k_mem, (MEM_LEN, OUT_DIM), dtype=jnp.float32)
    # mem_data statistics (self.mean, self.std set from mem_data in train_autoencoder)
    mem_data = jax.random.normal(k_memdata, (MEM_LEN, IN_DIM), dtype=jnp.float32)
    mean = jnp.mean(mem_data, axis=0)
    std = jnp.std(mem_data, axis=0, ddof=1)
    # Encoder: Linear(in_dim, out_dim) + Tanh
    W_enc = jax.random.normal(k_w, (OUT_DIM, IN_DIM), dtype=jnp.float32) * (1.0 / np.sqrt(IN_DIM))
    b_enc = jnp.zeros((OUT_DIM,), dtype=jnp.float32)
    return {"x": x, "memory": memory, "mean": mean, "std": std, "W_enc": W_enc, "b_enc": b_enc}


def reference(x, memory, mean, std, W_enc, b_enc):
    # new = (x - mean) / std; new[:, std == 0] = 0
    new = (x - mean) / std
    new = jnp.where(std == 0, jnp.zeros_like(new), new)
    # encoder: tanh(linear)
    encoder_output = jnp.tanh(new @ W_enc.T + b_enc)
    # torch.norm(memory - encoder_output, dim=1, p=1).min()
    dists = jnp.sum(jnp.abs(memory - encoder_output), axis=1)
    loss_values = jnp.min(dists)
    return loss_values

if __name__ == "__main__":
    import jax
    _d = setup_inputs()
    print(jax.jit(kernel)(*tuple(_d.values())))

</pallas_src>

<mosaic_0001>
#map = affine_map<(d0, d1) -> (0)>
#map1 = affine_map<(d0, d1) -> (0, 0)>
module attributes {stable_mosaic.version = 14 : i64} {
  func.func @_sc_body_wrap(%arg0: i32, %arg1: i32, %arg2: memref<512xf32, #tpu.memory_space<hbm>>, %arg3: memref<65536x512xf32, #tpu.memory_space<hbm>>, %arg4: memref<32x16xf32, #tpu.memory_space<hbm>>, %arg5: memref<512xf32, #tpu.memory_space<vmem>>, %arg6: memref<64x512xf32, #tpu.memory_space<vmem>>, %arg7: memref<64x512xf32, #tpu.memory_space<vmem>>, %arg8: memref<16xf32, #tpu.memory_space<vmem>>, %arg9: memref<!tpu.dma_semaphore, #tpu.memory_space<semaphore_mem>>, %arg10: memref<!tpu.dma_semaphore, #tpu.memory_space<semaphore_mem>>) attributes {dimension_semantics = [#tpu.dimension_semantics<core_parallel>, #tpu.dimension_semantics<subcore_parallel>], iteration_bounds = array<i64: 2, 16>, scalar_prefetch = 0 : i64, scratch_operands = 6 : i64, tpu.core_type = #tpu.core_type<sc_vector_subcore>, window_params = [{transform_indices = #map}, {transform_indices = #map1}, {transform_indices = #map1}]} {
    %mul3A = arith.constant 2 : i32
    %mul3A_0 = arith.muli %arg1, %mul3A : i32
    %add3A = arith.addi %mul3A_0, %arg0 : i32
    %mul3A_1 = arith.constant 384 : i32
    %mul3A_2 = arith.muli %add3A, %mul3A_1 : i32
    "tpu.region"() ({
      %run_scoped3A = tpu.sem_alloc : memref<!tpu.dma_semaphore, #tpu.memory_space<semaphore_mem>>
      tpu.enqueue_dma source(%arg2 : memref<512xf32, #tpu.memory_space<hbm>>) target(%arg5 : memref<512xf32, #tpu.memory_space<vmem>>) target_semaphore(%run_scoped3A : memref<!tpu.dma_semaphore, #tpu.memory_space<semaphore_mem>>)
      tpu.wait_dma2 semaphore(%run_scoped3A : memref<!tpu.dma_semaphore, #tpu.memory_space<semaphore_mem>>) src(%arg2 : memref<512xf32, #tpu.memory_space<hbm>>) dst(%arg5 : memref<512xf32, #tpu.memory_space<vmem>>)
      tpu.yield
    }) : () -> ()
    %get3A = arith.constant 0 : index
    %get3A_3 = tpu.vector_load %arg5[%get3A] {strides = array<i32>} : memref<512xf32, #tpu.memory_space<vmem>>, vector<16xf32>,
    %get3A_4 = vector.shape_cast %get3A_3 : vector<16xf32> to vector<16xf32>
    %get3A_5 = arith.constant 16 : index
    %get3A_6 = tpu.vector_load %arg5[%get3A_5] {strides = array<i32>} : memref<512xf32, #tpu.memory_space<vmem>>, vector<16xf32>,
    %get3A_7 = vector.shape_cast %get3A_6 : vector<16xf32> to vector<16xf32>
    %get3A_8 = arith.constant 32 : index
    %get3A_9 = tpu.vector_load %arg5[%get3A_8] {strides = array<i32>} : memref<512xf32, #tpu.memory_space<vmem>>, vector<16xf32>,
    %get3A_10 = vector.shape_cast %get3A_9 : vector<16xf32> to vector<16xf32>
    %get3A_11 = arith.constant 48 : index
    %get3A_12 = tpu.vector_load %arg5[%get3A_11] {strides = array<i32>} : memref<512xf32, #tpu.memory_space<vmem>>, vector<16xf32>,
    %get3A_13 = vector.shape_cast %get3A_12 : vector<16xf32> to vector<16xf32>
    %get3A_14 = arith.constant 64 : index
    %get3A_15 = tpu.vector_load %arg5[%get3A_14] {strides = array<i32>} : memref<512xf32, #tpu.memory_space<vmem>>, vector<16xf32>,
    %get3A_16 = vector.shape_cast %get3A_15 : vector<16xf32> to vector<16xf32>
    %get3A_17 = arith.constant 80 : index
    %get3A_18 = tpu.vector_load %arg5[%get3A_17] {strides = array<i32>} : memref<512xf32, #tpu.memory_space<vmem>>, vector<16xf32>,
    %get3A_19 = vector.shape_cast %get3A_18 : vector<16xf32> to vector<16xf32>
    %get3A_20 = arith.constant 96 : index
    %get3A_21 = tpu.vector_load %arg5[%get3A_20] {strides = array<i32>} : memref<512xf32, #tpu.memory_space<vmem>>, vector<16xf32>,
    %get3A_22 = vector.shape_cast %get3A_21 : vector<16xf32> to vector<16xf32>
    %get3A_23 = arith.constant 112 : index
    %get3A_24 = tpu.vector_load %arg5[%get3A_23] {strides = array<i32>} : memref<512xf32, #tpu.memory_space<vmem>>, vector<16xf32>,
    %get3A_25 = vector.shape_cast %get3A_24 : vector<16xf32> to vector<16xf32>
    %get3A_26 = arith.constant 128 : index
    %get3A_27 = tpu.vector_load %arg5[%get3A_26] {strides = array<i32>} : memref<512xf32, #tpu.memory_space<vmem>>, vector<16xf32>,
    %get3A_28 = vector.shape_cast %get3A_27 : vector<16xf32> to vector<16xf32>
    %get3A_29 = arith.constant 144 : index
    %get3A_30 = tpu.vector_load %arg5[%get3A_29] {strides = array<i32>} : memref<512xf32, #tpu.memory_space<vmem>>, vector<16xf32>,
    %get3A_31 = vector.shape_cast %get3A_30 : vector<16xf32> to vector<16xf32>
    %get3A_32 = arith.constant 160 : index
    %get3A_33 = tpu.vector_load %arg5[%get3A_32] {strides = array<i32>} : memref<512xf32, #tpu.memory_space<vmem>>, vector<16xf32>,
    %get3A_34 = vector.shape_cast %get3A_33 : vector<16xf32> to vector<16xf32>
    %get3A_35 = arith.constant 176 : index
    %get3A_36 = tpu.vector_load %arg5[%get3A_35] {strides = array<i32>} : memref<512xf32, #tpu.memory_space<vmem>>, vector<16xf32>,
    %get3A_37 = vector.shape_cast %get3A_36 : vector<16xf32> to vector<16xf32>
    %get3A_38 = arith.constant 192 : index
    %get3A_39 = tpu.vector_load %arg5[%get3A_38] {strides = array<i32>} : memref<512xf32, #tpu.memory_space<vmem>>, vector<16xf32>,
    %get3A_40 = vector.shape_cast %get3A_39 : vector<16xf32> to vector<16xf32>
    %get3A_41 = arith.constant 208 : index
    %get3A_42 = tpu.vector_load %arg5[%get3A_41] {strides = array<i32>} : memref<512xf32, #tpu.memory_space<vmem>>, vector<16xf32>,
    %get3A_43 = vector.shape_cast %get3A_42 : vector<16xf32> to vector<16xf32>
    %get3A_44 = arith.constant 224 : index
    %get3A_45 = tpu.vector_load %arg5[%get3A_44] {strides = array<i32>} : memref<512xf32, #tpu.memory_space<vmem>>, vector<16xf32>,
    %get3A_46 = vector.shape_cast %get3A_45 : vector<16xf32> to vector<16xf32>
    %get3A_47 = arith.constant 240 : index
    %get3A_48 = tpu.vector_load %arg5[%get3A_47] {strides = array<i32>} : memref<512xf32, #tpu.memory_space<vmem>>, vector<16xf32>,
    %get3A_49 = vector.shape_cast %get3A_48 : vector<16xf32> to vector<16xf32>
    %get3A_50 = arith.constant 256 : index
    %get3A_51 = tpu.vector_load %arg5[%get3A_50] {strides = array<i32>} : memref<512xf32, #tpu.memory_space<vmem>>, vector<16xf32>,
    %get3A_52 = vector.shape_cast %get3A_51 : vector<16xf32> to vector<16xf32>
    %get3A_53 = arith.constant 272 : index
    %get3A_54 = tpu.vector_load %arg5[%get3A_53] {strides = array<i32>} : memref<512xf32, #tpu.memory_space<vmem>>, vector<16xf32>,
    %get3A_55 = vector.shape_cast %get3A_54 : vector<16xf32> to vector<16xf32>
    %get3A_56 = arith.constant 288 : index
    %get3A_57 = tpu.vector_load %arg5[%get3A_56] {strides = array<i32>} : memref<512xf32, #tpu.memory_space<vmem>>, vector<16xf32>,
    %get3A_58 = vector.shape_cast %get3A_57 : vector<16xf32> to vector<16xf32>
    %get3A_59 = arith.constant 304 : index
    %get3A_60 = tpu.vector_load %arg5[%get3A_59] {strides = array<i32>} : memref<512xf32, #tpu.memory_space<vmem>>, vector<16xf32>,
    %get3A_61 = vector.shape_cast %get3A_60 : vector<16xf32> to vector<16xf32>
    %get3A_62 = arith.constant 320 : index
    %get3A_63 = tpu.vector_load %arg5[%get3A_62] {strides = array<i32>} : memref<512xf32, #tpu.memory_space<vmem>>, vector<16xf32>,
    %get3A_64 = vector.shape_cast %get3A_63 : vector<16xf32> to vector<16xf32>
    %get3A_65 = arith.constant 336 : index
    %get3A_66 = tpu.vector_load %arg5[%get3A_65] {strides = array<i32>} : memref<512xf32, #tpu.memory_space<vmem>>, vector<16xf32>,
    %get3A_67 = vector.shape_cast %get3A_66 : vector<16xf32> to vector<16xf32>
    %get3A_68 = arith.constant 352 : index
    %get3A_69 = tpu.vector_load %arg5[%get3A_68] {strides = array<i32>} : memref<512xf32, #tpu.memory_space<vmem>>, vector<16xf32>,
    %get3A_70 = vector.shape_cast %get3A_69 : vector<16xf32> to vector<16xf32>
    %get3A_71 = arith.constant 368 : index
    %get3A_72 = tpu.vector_load %arg5[%get3A_71] {strides = array<i32>} : memref<512xf32, #tpu.memory_space<vmem>>, vector<16xf32>,
    %get3A_73 = vector.shape_cast %get3A_72 : vector<16xf32> to vector<16xf32>
    %get3A_74 = arith.constant 384 : index
    %get3A_75 = tpu.vector_load %arg5[%get3A_74] {strides = array<i32>} : memref<512xf32, #tpu.memory_space<vmem>>, vector<16xf32>,
    %get3A_76 = vector.shape_cast %get3A_75 : vector<16xf32> to vector<16xf32>
    %get3A_77 = arith.constant 400 : index
    %get3A_78 = tpu.vector_load %arg5[%get3A_77] {strides = array<i32>} : memref<512xf32, #tpu.memory_space<vmem>>, vector<16xf32>,
    %get3A_79 = vector.shape_cast %get3A_78 : vector<16xf32> to vector<16xf32>
    %get3A_80 = arith.constant 416 : index
    %get3A_81 = tpu.vector_load %arg5[%get3A_80] {strides = array<i32>} : memref<512xf32, #tpu.memory_space<vmem>>, vector<16xf32>,
    %get3A_82 = vector.shape_cast %get3A_81 : vector<16xf32> to vector<16xf32>
    %get3A_83 = arith.constant 432 : index
    %get3A_84 = tpu.vector_load %arg5[%get3A_83] {strides = array<i32>} : memref<512xf32, #tpu.memory_space<vmem>>, vector<16xf32>,
    %get3A_85 = vector.shape_cast %get3A_84 : vector<16xf32> to vector<16xf32>
    %get3A_86 = arith.constant 448 : index
    %get3A_87 = tpu.vector_load %arg5[%get3A_86] {strides = array<i32>} : memref<512xf32, #tpu.memory_space<vmem>>, vector<16xf32>,
    %get3A_88 = vector.shape_cast %get3A_87 : vector<16xf32> to vector<16xf32>
    %get3A_89 = arith.constant 464 : index
    %get3A_90 = tpu.vector_load %arg5[%get3A_89] {strides = array<i32>} : memref<512xf32, #tpu.memory_space<vmem>>, vector<16xf32>,
    %get3A_91 = vector.shape_cast %get3A_90 : vector<16xf32> to vector<16xf32>
    %get3A_92 = arith.constant 480 : index
    %get3A_93 = tpu.vector_load %arg5[%get3A_92] {strides = array<i32>} : memref<512xf32, #tpu.memory_space<vmem>>, vector<16xf32>,
    %get3A_94 = vector.shape_cast %get3A_93 : vector<16xf32> to vector<16xf32>
    %get3A_95 = arith.constant 496 : index
    %get3A_96 = tpu.vector_load %arg5[%get3A_95] {strides = array<i32>} : memref<512xf32, #tpu.memory_space<vmem>>, vector<16xf32>,
    %get3A_97 = vector.shape_cast %get3A_96 : vector<16xf32> to vector<16xf32>
    %iota3A = tpu.iota {dimensions = array<i32: 0>} : vector<16xi32>
    %add3A_98 = arith.constant 8 : i32
    %add3A_99 = vector.broadcast %add3A_98 : i32 to vector<16xi32>
    %add3A_100 = arith.addi %iota3A, %add3A_99 : vector<16xi32>
    %and3A = arith.constant 15 : i32
    %and3A_101 = vector.broadcast %and3A : i32 to vector<16xi32>
    %and3A_102 = arith.andi %add3A_100, %and3A_101 : vector<16xi32>
    %add3A_103 = arith.constant 4 : i32
    %add3A_104 = vector.broadcast %add3A_103 : i32 to vector<16xi32>
    %add3A_105 = arith.addi %iota3A, %add3A_104 : vector<16xi32>
    %and3A_106 = arith.constant 15 : i32
    %and3A_107 = vector.broadcast %and3A_106 : i32 to vector<16xi32>
    %and3A_108 = arith.andi %add3A_105, %and3A_107 : vector<16xi32>
    %add3A_109 = arith.constant 2 : i32
    %add3A_110 = vector.broadcast %add3A_109 : i32 to vector<16xi32>
    %add3A_111 = arith.addi %iota3A, %add3A_110 : vector<16xi32>
    %and3A_112 = arith.constant 15 : i32
    %and3A_113 = vector.broadcast %and3A_112 : i32 to vector<16xi32>
    %and3A_114 = arith.andi %add3A_111, %and3A_113 : vector<16xi32>
    %add3A_115 = arith.constant 1 : i32
    %add3A_116 = vector.broadcast %add3A_115 : i32 to vector<16xi32>
    %add3A_117 = arith.addi %iota3A, %add3A_116 : vector<16xi32>
    %and3A_118 = arith.constant 15 : i32
    %and3A_119 = vector.broadcast %and3A_118 : i32 to vector<16xi32>
    %and3A_120 = arith.andi %add3A_117, %and3A_119 : vector<16xi32>
    %add3A_121 = arith.constant 0 : i32
    %add3A_122 = arith.addi %mul3A_2, %add3A_121 : i32
    %dma_start3A = arith.constant 0 : i32
    %dma_start3A_123 = tpu.memref_slice %arg3[%add3A_122, %dma_start3A] : memref<65536x512xf32, #tpu.memory_space<hbm>> -> memref<64x512xf32, #tpu.memory_space<hbm>>
    %dma_start3A_124 = arith.constant 0 : i32
    %dma_start3A_125 = tpu.memref_slice %arg3[%add3A_122, %dma_start3A_124] : memref<65536x512xf32, #tpu.memory_space<hbm>> -> memref<64x512xf32, #tpu.memory_space<hbm>>
    tpu.enqueue_dma source(%dma_start3A_125 : memref<64x512xf32, #tpu.memory_space<hbm>>) target(%arg6 : memref<64x512xf32, #tpu.memory_space<vmem>>) target_semaphore(%arg9 : memref<!tpu.dma_semaphore, #tpu.memory_space<semaphore_mem>>)
    %add3A_126 = arith.constant 64 : i32
    %add3A_127 = arith.addi %mul3A_2, %add3A_126 : i32
    %dma_start3A_128 = arith.constant 0 : i32
    %dma_start3A_129 = tpu.memref_slice %arg3[%add3A_127, %dma_start3A_128] : memref<65536x512xf32, #tpu.memory_space<hbm>> -> memref<64x512xf32, #tpu.memory_space<hbm>>
    %dma_start3A_130 = arith.constant 0 : i32
    %dma_start3A_131 = tpu.memref_slice %arg3[%add3A_127, %dma_start3A_130] : memref<65536x512xf32, #tpu.memory_space<hbm>> -> memref<64x512xf32, #tpu.memory_space<hbm>>
    tpu.enqueue_dma source(%dma_start3A_131 : memref<64x512xf32, #tpu.memory_space<hbm>>) target(%arg7 : memref<64x512xf32, #tpu.memory_space<vmem>>) target_semaphore(%arg10 : memref<!tpu.dma_semaphore, #tpu.memory_space<semaphore_mem>>)
    %broadcast_in_dim3A = arith.constant 0x7F800000 : f32
    %broadcast_in_dim3A_132 = vector.broadcast %broadcast_in_dim3A : f32 to vector<16xf32>
    %scan3A = arith.constant 0 : i32
    %scan3A_133 = arith.constant 3 : i32
    %scan3A_134 = arith.addi %scan3A, %scan3A_133 : i32
    %scan3A_135 = arith.constant 1 : i32
    %scan3A_136 = scf.for %scan3A_141 = %scan3A to %scan3A_134 step %scan3A_135 iter_args(%scan3A_142 = %broadcast_in_dim3A_132) -> (vector<16xf32>)  : i32 {
      %mul3A_143 = arith.constant 2 : i32
      %mul3A_144 = arith.muli %scan3A_141, %mul3A_143 : i32
      %dma_wait3A = arith.constant 0 : i32
      %dma_wait3A_145 = arith.constant 0 : i32
      %dma_wait3A_146 = tpu.memref_slice %arg3[%dma_wait3A, %dma_wait3A_145] : memref<65536x512xf32, #tpu.memory_space<hbm>> -> memref<64x512xf32, #tpu.memory_space<hbm>>
      %dma_wait3A_147 = arith.constant 0 : i32
      %dma_wait3A_148 = arith.constant 0 : i32
      %dma_wait3A_149 = tpu.memref_slice %arg3[%dma_wait3A_147, %dma_wait3A_148] : memref<65536x512xf32, #tpu.memory_space<hbm>> -> memref<64x512xf32, #tpu.memory_space<hbm>>
      tpu.wait_dma2 semaphore(%arg9 : memref<!tpu.dma_semaphore, #tpu.memory_space<semaphore_mem>>) src(%dma_wait3A_149 : memref<64x512xf32, #tpu.memory_space<hbm>>) dst(%arg6 : memref<64x512xf32, #tpu.memory_space<vmem>>)
      %parallel_loop3A = arith.constant 0 : i32
      %parallel_loop3A_150 = arith.constant 64 : i32
      %parallel_loop3A_151 = arith.constant 1 : i32
      %parallel_loop3A_152 = scf.for %parallel_loop3A_178 = %parallel_loop3A to %parallel_loop3A_150 step %parallel_loop3A_151 iter_args(%parallel_loop3A_179 = %scan3A_142) -> (vector<16xf32>)  : i32 {
        %parallel_loop3A_180 = arith.index_cast %parallel_loop3A_178 : i32 to index
        %parallel_loop3A_181 = arith.constant 0 : index
        %parallel_loop3A_182 = tpu.vector_load %arg6[%parallel_loop3A_180, %parallel_loop3A_181] {strides = array<i32>} : memref<64x512xf32, #tpu.memory_space<vmem>>, vector<1x16xf32>,
        %parallel_loop3A_183 = vector.shape_cast %parallel_loop3A_182 : vector<1x16xf32> to vector<16xf32>
        %parallel_loop3A_184 = arith.subf %parallel_loop3A_183, %get3A_4 : vector<16xf32>
        %parallel_loop3A_185 = math.absf %parallel_loop3A_184 : vector<16xf32>
        %parallel_loop3A_186 = arith.index_cast %parallel_loop3A_178 : i32 to index
        %parallel_loop3A_187 = arith.constant 16 : index
        %parallel_loop3A_188 = tpu.vector_load %arg6[%parallel_loop3A_186, %parallel_loop3A_187] {strides = array<i32>} : memref<64x512xf32, #tpu.memory_space<vmem>>, vector<1x16xf32>,
        %parallel_loop3A_189 = vector.shape_cast %parallel_loop3A_188 : vector<1x16xf32> to vector<16xf32>
        %parallel_loop3A_190 = arith.subf %parallel_loop3A_189, %get3A_7 : vector<16xf32>
        %parallel_loop3A_191 = math.absf %parallel_loop3A_190 : vector<16xf32>
        %parallel_loop3A_192 = arith.index_cast %parallel_loop3A_178 : i32 to index
        %parallel_loop3A_193 = arith.constant 32 : index
        %parallel_loop3A_194 = tpu.vector_load %arg6[%parallel_loop3A_192, %parallel_loop3A_193] {strides = array<i32>} : memref<64x512xf32, #tpu.memory_space<vmem>>, vector<1x16xf32>,
        %parallel_loop3A_195 = vector.shape_cast %parallel_loop3A_194 : vector<1x16xf32> to vector<16xf32>
        %parallel_loop3A_196 = arith.subf %parallel_loop3A_195, %get3A_10 : vector<16xf32>
        %parallel_loop3A_197 = math.absf %parallel_loop3A_196 : vector<16xf32>
        %parallel_loop3A_198 = arith.index_cast %parallel_loop3A_178 : i32 to index
        %parallel_loop3A_199 = arith.constant 48 : index
        %parallel_loop3A_200 = tpu.vector_load %arg6[%parallel_loop3A_198, %parallel_loop3A_199] {strides = array<i32>} : memref<64x512xf32, #tpu.memory_space<vmem>>, vector<1x16xf32>,
        %parallel_loop3A_201 = vector.shape_cast %parallel_loop3A_200 : vector<1x16xf32> to vector<16xf32>
        %parallel_loop3A_202 = arith.subf %parallel_loop3A_201, %get3A_13 : vector<16xf32>
        %parallel_loop3A_203 = math.absf %parallel_loop3A_202 : vector<16xf32>
        %parallel_loop3A_204 = arith.index_cast %parallel_loop3A_178 : i32 to index
        %parallel_loop3A_205 = arith.constant 64 : index
        %parallel_loop3A_206 = tpu.vector_load %arg6[%parallel_loop3A_204, %parallel_loop3A_205] {strides = array<i32>} : memref<64x512xf32, #tpu.memory_space<vmem>>, vector<1x16xf32>,
        %parallel_loop3A_207 = vector.shape_cast %parallel_loop3A_206 : vector<1x16xf32> to vector<16xf32>
        %parallel_loop3A_208 = arith.subf %parallel_loop3A_207, %get3A_16 : vector<16xf32>
        %parallel_loop3A_209 = math.absf %parallel_loop3A_208 : vector<16xf32>
        %parallel_loop3A_210 = arith.addf %parallel_loop3A_185, %parallel_loop3A_209 : vector<16xf32>
        %parallel_loop3A_211 = arith.index_cast %parallel_loop3A_178 : i32 to index
        %parallel_loop3A_212 = arith.constant 80 : index
        %parallel_loop3A_213 = tpu.vector_load %arg6[%parallel_loop3A_211, %parallel_loop3A_212] {strides = array<i32>} : memref<64x512xf32, #tpu.memory_space<vmem>>, vector<1x16xf32>,
        %parallel_loop3A_214 = vector.shape_cast %parallel_loop3A_213 : vector<1x16xf32> to vector<16xf32>
        %parallel_loop3A_215 = arith.subf %parallel_loop3A_214, %get3A_19 : vector<16xf32>
        %parallel_loop3A_216 = math.absf %parallel_loop3A_215 : vector<16xf32>
        %parallel_loop3A_217 = arith.addf %parallel_loop3A_191, %parallel_loop3A_216 : vector<16xf32>
        %parallel_loop3A_218 = arith.index_cast %parallel_loop3A_178 : i32 to index
        %parallel_loop3A_219 = arith.constant 96 : index
        %parallel_loop3A_220 = tpu.vector_load %arg6[%parallel_loop3A_218, %parallel_loop3A_219] {strides = array<i32>} : memref<64x512xf32, #tpu.memory_space<vmem>>, vector<1x16xf32>,
        %parallel_loop3A_221 = vector.shape_cast %parallel_loop3A_220 : vector<1x16xf32> to vector<16xf32>
        %parallel_loop3A_222 = arith.subf %parallel_loop3A_221, %get3A_22 : vector<16xf32>
        %parallel_loop3A_223 = math.absf %parallel_loop3A_222 : vector<16xf32>
        %parallel_loop3A_224 = arith.addf %parallel_loop3A_197, %parallel_loop3A_223 : vector<16xf32>
        %parallel_loop3A_225 = arith.index_cast %parallel_loop3A_178 : i32 to index
        %parallel_loop3A_226 = arith.constant 112 : index
        %parallel_loop3A_227 = tpu.vector_load %arg6[%parallel_loop3A_225, %parallel_loop3A_226] {strides = array<i32>} : memref<64x512xf32, #tpu.memory_space<vmem>>, vector<1x16xf32>,
        %parallel_loop3A_228 = vector.shape_cast %parallel_loop3A_227 : vector<1x16xf32> to vector<16xf32>
        %parallel_loop3A_229 = arith.subf %parallel_loop3A_228, %get3A_25 : vector<16xf32>
        %parallel_loop3A_230 = math.absf %parallel_loop3A_229 : vector<16xf32>
        %parallel_loop3A_231 = arith.addf %parallel_loop3A_203, %parallel_loop3A_230 : vector<16xf32>
        %parallel_loop3A_232 = arith.index_cast %parallel_loop3A_178 : i32 to index
        %parallel_loop3A_233 = arith.constant 128 : index
        %parallel_loop3A_234 = tpu.vector_load %arg6[%parallel_loop3A_232, %parallel_loop3A_233] {strides = array<i32>} : memref<64x512xf32, #tpu.memory_space<vmem>>, vector<1x16xf32>,
        %parallel_loop3A_235 = vector.shape_cast %parallel_loop3A_234 : vector<1x16xf32> to vector<16xf32>
        %parallel_loop3A_236 = arith.subf %parallel_loop3A_235, %get3A_28 : vector<16xf32>
        %parallel_loop3A_237 = math.absf %parallel_loop3A_236 : vector<16xf32>
        %parallel_loop3A_238 = arith.addf %parallel_loop3A_210, %parallel_loop3A_237 : vector<16xf32>
        %parallel_loop3A_239 = arith.index_cast %parallel_loop3A_178 : i32 to index
        %parallel_loop3A_240 = arith.constant 144 : index
        %parallel_loop3A_241 = tpu.vector_load %arg6[%parallel_loop3A_239, %parallel_loop3A_240] {strides = array<i32>} : memref<64x512xf32, #tpu.memory_space<vmem>>, vector<1x16xf32>,
        %parallel_loop3A_242 = vector.shape_cast %parallel_loop3A_241 : vector<1x16xf32> to vector<16xf32>
        %parallel_loop3A_243 = arith.subf %parallel_loop3A_242, %get3A_31 : vector<16xf32>
        %parallel_loop3A_244 = math.absf %parallel_loop3A_243 : vector<16xf32>
        %parallel_loop3A_245 = arith.addf %parallel_loop3A_217, %parallel_loop3A_244 : vector<16xf32>
        %parallel_loop3A_246 = arith.index_cast %parallel_loop3A_178 : i32 to index
        %parallel_loop3A_247 = arith.constant 160 : index
        %parallel_loop3A_248 = tpu.vector_load %arg6[%parallel_loop3A_246, %parallel_loop3A_247] {strides = array<i32>} : memref<64x512xf32, #tpu.memory_space<vmem>>, vector<1x16xf32>,
        %parallel_loop3A_249 = vector.shape_cast %parallel_loop3A_248 : vector<1x16xf32> to vector<16xf32>
        %parallel_loop3A_250 = arith.subf %parallel_loop3A_249, %get3A_34 : vector<16xf32>
        %parallel_loop3A_251 = math.absf %parallel_loop3A_250 : vector<16xf32>
        %parallel_loop3A_252 = arith.addf %parallel_loop3A_224, %parallel_loop3A_251 : vector<16xf32>
        %parallel_loop3A_253 = arith.index_cast %parallel_loop3A_178 : i32 to index
        %parallel_loop3A_254 = arith.constant 176 : index
        %parallel_loop3A_255 = tpu.vector_load %arg6[%parallel_loop3A_253, %parallel_loop3A_254] {strides = array<i32>} : memref<64x512xf32, #tpu.memory_space<vmem>>, vector<1x16xf32>,
        %parallel_loop3A_256 = vector.shape_cast %parallel_loop3A_255 : vector<1x16xf32> to vector<16xf32>
        %parallel_loop3A_257 = arith.subf %parallel_loop3A_256, %get3A_37 : vector<16xf32>
        %parallel_loop3A_258 = math.absf %parallel_loop3A_257 : vector<16xf32>
        %parallel_loop3A_259 = arith.addf %parallel_loop3A_231, %parallel_loop3A_258 : vector<16xf32>
        %parallel_loop3A_260 = arith.index_cast %parallel_loop3A_178 : i32 to index
        %parallel_loop3A_261 = arith.constant 192 : index
        %parallel_loop3A_262 = tpu.vector_load %arg6[%parallel_loop3A_260, %parallel_loop3A_261] {strides = array<i32>} : memref<64x512xf32, #tpu.memory_space<vmem>>, vector<1x16xf32>,
        %parallel_loop3A_263 = vector.shape_cast %parallel_loop3A_262 : vector<1x16xf32> to vector<16xf32>
        %parallel_loop3A_264 = arith.subf %parallel_loop3A_263, %get3A_40 : vector<16xf32>
        %parallel_loop3A_265 = math.absf %parallel_loop3A_264 : vector<16xf32>
        %parallel_loop3A_266 = arith.addf %parallel_loop3A_238, %parallel_loop3A_265 : vector<16xf32>
        %parallel_loop3A_267 = arith.index_cast %parallel_loop3A_178 : i32 to index
        %parallel_loop3A_268 = arith.constant 208 : index
        %parallel_loop3A_269 = tpu.vector_load %arg6[%parallel_loop3A_267, %parallel_loop3A_268] {strides = array<i32>} : memref<64x512xf32, #tpu.memory_space<vmem>>, vector<1x16xf32>,
        %parallel_loop3A_270 = vector.shape_cast %parallel_loop3A_269 : vector<1x16xf32> to vector<16xf32>
        %parallel_loop3A_271 = arith.subf %parallel_loop3A_270, %get3A_43 : vector<16xf32>
        %parallel_loop3A_272 = math.absf %parallel_loop3A_271 : vector<16xf32>
        %parallel_loop3A_273 = arith.addf %parallel_loop3A_245, %parallel_loop3A_272 : vector<16xf32>
        %parallel_loop3A_274 = arith.index_cast %parallel_loop3A_178 : i32 to index
        %parallel_loop3A_275 = arith.constant 224 : index
        %parallel_loop3A_276 = tpu.vector_load %arg6[%parallel_loop3A_274, %parallel_loop3A_275] {strides = array<i32>} : memref<64x512xf32, #tpu.memory_space<vmem>>, vector<1x16xf32>,
        %parallel_loop3A_277 = vector.shape_cast %parallel_loop3A_276 : vector<1x16xf32> to vector<16xf32>
        %parallel_loop3A_278 = arith.subf %parallel_loop3A_277, %get3A_46 : vector<16xf32>
        %parallel_loop3A_279 = math.absf %parallel_loop3A_278 : vector<16xf32>
        %parallel_loop3A_280 = arith.addf %parallel_loop3A_252, %parallel_loop3A_279 : vector<16xf32>
        %parallel_loop3A_281 = arith.index_cast %parallel_loop3A_178 : i32 to index
        %parallel_loop3A_282 = arith.constant 240 : index
        %parallel_loop3A_283 = tpu.vector_load %arg6[%parallel_loop3A_281, %parallel_loop3A_282] {strides = array<i32>} : memref<64x512xf32, #tpu.memory_space<vmem>>, vector<1x16xf32>,
        %parallel_loop3A_284 = vector.shape_cast %parallel_loop3A_283 : vector<1x16xf32> to vector<16xf32>
        %parallel_loop3A_285 = arith.subf %parallel_loop3A_284, %get3A_49 : vector<16xf32>
        %parallel_loop3A_286 = math.absf %parallel_loop3A_285 : vector<16xf32>
        %parallel_loop3A_287 = arith.addf %parallel_loop3A_259, %parallel_loop3A_286 : vector<16xf32>
        %parallel_loop3A_288 = arith.index_cast %parallel_loop3A_178 : i32 to index
        %parallel_loop3A_289 = arith.constant 256 : index
        %parallel_loop3A_290 = tpu.vector_load %arg6[%parallel_loop3A_288, %parallel_loop3A_289] {strides = array<i32>} : memref<64x512xf32, #tpu.memory_space<vmem>>, vector<1x16xf32>,
        %parallel_loop3A_291 = vector.shape_cast %parallel_loop3A_290 : vector<1x16xf32> to vector<16xf32>
        %parallel_loop3A_292 = arith.subf %parallel_loop3A_291, %get3A_52 : vector<16xf32>
        %parallel_loop3A_293 = math.absf %parallel_loop3A_292 : vector<16xf32>
        %parallel_loop3A_294 = arith.addf %parallel_loop3A_266, %parallel_loop3A_293 : vector<16xf32>
        %parallel_loop3A_295 = arith.index_cast %parallel_loop3A_178 : i32 to index
        %parallel_loop3A_296 = arith.constant 272 : index
        %parallel_loop3A_297 = tpu.vector_load %arg6[%parallel_loop3A_295, %parallel_loop3A_296] {strides = array<i32>} : memref<64x512xf32, #tpu.memory_space<vmem>>, vector<1x16xf32>,
        %parallel_loop3A_298 = vector.shape_cast %parallel_loop3A_297 : vector<1x16xf32> to vector<16xf32>
        %parallel_loop3A_299 = arith.subf %parallel_loop3A_298, %get3A_55 : vector<16xf32>
        %parallel_loop3A_300 = math.absf %parallel_loop3A_299 : vector<16xf32>
        %parallel_loop3A_301 = arith.addf %parallel_loop3A_273, %parallel_loop3A_300 : vector<16xf32>
        %parallel_loop3A_302 = arith.index_cast %parallel_loop3A_178 : i32 to index
        %parallel_loop3A_303 = arith.constant 288 : index
        %parallel_loop3A_304 = tpu.vector_load %arg6[%parallel_loop3A_302, %parallel_loop3A_303] {strides = array<i32>} : memref<64x512xf32, #tpu.memory_space<vmem>>, vector<1x16xf32>,
        %parallel_loop3A_305 = vector.shape_cast %parallel_loop3A_304 : vector<1x16xf32> to vector<16xf32>
        %parallel_loop3A_306 = arith.subf %parallel_loop3A_305, %get3A_58 : vector<16xf32>
        %parallel_loop3A_307 = math.absf %parallel_loop3A_306 : vector<16xf32>
        %parallel_loop3A_308 = arith.addf %parallel_loop3A_280, %parallel_loop3A_307 : vector<16xf32>
        %parallel_loop3A_309 = arith.index_cast %parallel_loop3A_178 : i32 to index
        %parallel_loop3A_310 = arith.constant 304 : index
        %parallel_loop3A_311 = tpu.vector_load %arg6[%parallel_loop3A_309, %parallel_loop3A_310] {strides = array<i32>} : memref<64x512xf32, #tpu.memory_space<vmem>>, vector<1x16xf32>,
        %parallel_loop3A_312 = vector.shape_cast %parallel_loop3A_311 : vector<1x16xf32> to vector<16xf32>
        %parallel_loop3A_313 = arith.subf %parallel_loop3A_312, %get3A_61 : vector<16xf32>
        %parallel_loop3A_314 = math.absf %parallel_loop3A_313 : vector<16xf32>
        %parallel_loop3A_315 = arith.addf %parallel_loop3A_287, %parallel_loop3A_314 : vector<16xf32>
        %parallel_loop3A_316 = arith.index_cast %parallel_loop3A_178 : i32 to index
        %parallel_loop3A_317 = arith.constant 320 : index
        %parallel_loop3A_318 = tpu.vector_load %arg6[%parallel_loop3A_316, %parallel_loop3A_317] {strides = array<i32>} : memref<64x512xf32, #tpu.memory_space<vmem>>, vector<1x16xf32>,
        %parallel_loop3A_319 = vector.shape_cast %parallel_loop3A_318 : vector<1x16xf32> to vector<16xf32>
        %parallel_loop3A_320 = arith.subf %parallel_loop3A_319, %get3A_64 : vector<16xf32>
        %parallel_loop3A_321 = math.absf %parallel_loop3A_320 : vector<16xf32>
        %parallel_loop3A_322 = arith.addf %parallel_loop3A_294, %parallel_loop3A_321 : vector<16xf32>
        %parallel_loop3A_323 = arith.index_cast %parallel_loop3A_178 : i32 to index
        %parallel_loop3A_324 = arith.constant 336 : index
        %parallel_loop3A_325 = tpu.vector_load %arg6[%parallel_loop3A_323, %parallel_loop3A_324] {strides = array<i32>} : memref<64x512xf32, #tpu.memory_space<vmem>>, vector<1x16xf32>,
        %parallel_loop3A_326 = vector.shape_cast %parallel_loop3A_325 : vector<1x16xf32> to vector<16xf32>
        %parallel_loop3A_327 = arith.subf %parallel_loop3A_326, %get3A_67 : vector<16xf32>
        %parallel_loop3A_328 = math.absf %parallel_loop3A_327 : vector<16xf32>
        %parallel_loop3A_329 = arith.addf %parallel_loop3A_301, %parallel_loop3A_328 : vector<16xf32>
        %parallel_loop3A_330 = arith.index_cast %parallel_loop3A_178 : i32 to index
        %parallel_loop3A_331 = arith.constant 352 : index
        %parallel_loop3A_332 = tpu.vector_load %arg6[%parallel_loop3A_330, %parallel_loop3A_331] {strides = array<i32>} : memref<64x512xf32, #tpu.memory_space<vmem>>, vector<1x16xf32>,
        %parallel_loop3A_333 = vector.shape_cast %parallel_loop3A_332 : vector<1x16xf32> to vector<16xf32>
        %parallel_loop3A_334 = arith.subf %parallel_loop3A_333, %get3A_70 : vector<16xf32>
        %parallel_loop3A_335 = math.absf %parallel_loop3A_334 : vector<16xf32>
        %parallel_loop3A_336 = arith.addf %parallel_loop3A_308, %parallel_loop3A_335 : vector<16xf32>
        %parallel_loop3A_337 = arith.index_cast %parallel_loop3A_178 : i32 to index
        %parallel_loop3A_338 = arith.constant 368 : index
        %parallel_loop3A_339 = tpu.vector_load %arg6[%parallel_loop3A_337, %parallel_loop3A_338] {strides = array<i32>} : memref<64x512xf32, #tpu.memory_space<vmem>>, vector<1x16xf32>,
        %parallel_loop3A_340 = vector.shape_cast %parallel_loop3A_339 : vector<1x16xf32> to vector<16xf32>
        %parallel_loop3A_341 = arith.subf %parallel_loop3A_340, %get3A_73 : vector<16xf32>
        %parallel_loop3A_342 = math.absf %parallel_loop3A_341 : vector<16xf32>
        %parallel_loop3A_343 = arith.addf %parallel_loop3A_315, %parallel_loop3A_342 : vector<16xf32>
        %parallel_loop3A_344 = arith.index_cast %parallel_loop3A_178 : i32 to index
        %parallel_loop3A_345 = arith.constant 384 : index
        %parallel_loop3A_346 = tpu.vector_load %arg6[%parallel_loop3A_344, %parallel_loop3A_345] {strides = array<i32>} : memref<64x512xf32, #tpu.memory_space<vmem>>, vector<1x16xf32>,
        %parallel_loop3A_347 = vector.shape_cast %parallel_loop3A_346 : vector<1x16xf32> to vector<16xf32>
        %parallel_loop3A_348 = arith.subf %parallel_loop3A_347, %get3A_76 : vector<16xf32>
        %parallel_loop3A_349 = math.absf %parallel_loop3A_348 : vector<16xf32>
        %parallel_loop3A_350 = arith.addf %parallel_loop3A_322, %parallel_loop3A_349 : vector<16xf32>
        %parallel_loop3A_351 = arith.index_cast %parallel_loop3A_178 : i32 to index
        %parallel_loop3A_352 = arith.constant 400 : index
        %parallel_loop3A_353 = tpu.vector_load %arg6[%parallel_loop3A_351, %parallel_loop3A_352] {strides = array<i32>} : memref<64x512xf32, #tpu.memory_space<vmem>>, vector<1x16xf32>,
        %parallel_loop3A_354 = vector.shape_cast %parallel_loop3A_353 : vector<1x16xf32> to vector<16xf32>
        %parallel_loop3A_355 = arith.subf %parallel_loop3A_354, %get3A_79 : vector<16xf32>
        %parallel_loop3A_356 = math.absf %parallel_loop3A_355 : vector<16xf32>
        %parallel_loop3A_357 = arith.addf %parallel_loop3A_329, %parallel_loop3A_356 : vector<16xf32>
        %parallel_loop3A_358 = arith.index_cast %parallel_loop3A_178 : i32 to index
        %parallel_loop3A_359 = arith.constant 416 : index
        %parallel_loop3A_360 = tpu.vector_load %arg6[%parallel_loop3A_358, %parallel_loop3A_359] {strides = array<i32>} : memref<64x512xf32, #tpu.memory_space<vmem>>, vector<1x16xf32>,
        %parallel_loop3A_361 = vector.shape_cast %parallel_loop3A_360 : vector<1x16xf32> to vector<16xf32>
        %parallel_loop3A_362 = arith.subf %parallel_loop3A_361, %get3A_82 : vector<16xf32>
        %parallel_loop3A_363 = math.absf %parallel_loop3A_362 : vector<16xf32>
        %parallel_loop3A_364 = arith.addf %parallel_loop3A_336, %parallel_loop3A_363 : vector<16xf32>
        %parallel_loop3A_365 = arith.index_cast %parallel_loop3A_178 : i32 to index
        %parallel_loop3A_366 = arith.constant 432 : index
        %parallel_loop3A_367 = tpu.vector_load %arg6[%parallel_loop3A_365, %parallel_loop3A_366] {strides = array<i32>} : memref<64x512xf32, #tpu.memory_space<vmem>>, vector<1x16xf32>,
        %parallel_loop3A_368 = vector.shape_cast %parallel_loop3A_367 : vector<1x16xf32> to vector<16xf32>
        %parallel_loop3A_369 = arith.subf %parallel_loop3A_368, %get3A_85 : vector<16xf32>
        %parallel_loop3A_370 = math.absf %parallel_loop3A_369 : vector<16xf32>
        %parallel_loop3A_371 = arith.addf %parallel_loop3A_343, %parallel_loop3A_370 : vector<16xf32>
        %parallel_loop3A_372 = arith.index_cast %parallel_loop3A_178 : i32 to index
        %parallel_loop3A_373 = arith.constant 448 : index
        %parallel_loop3A_374 = tpu.vector_load %arg6[%parallel_loop3A_372, %parallel_loop3A_373] {strides = array<i32>} : memref<64x512xf32, #tpu.memory_space<vmem>>, vector<1x16xf32>,
        %parallel_loop3A_375 = vector.shape_cast %parallel_loop3A_374 : vector<1x16xf32> to vector<16xf32>
        %parallel_loop3A_376 = arith.subf %parallel_loop3A_375, %get3A_88 : vector<16xf32>
        %parallel_loop3A_377 = math.absf %parallel_loop3A_376 : vector<16xf32>
        %parallel_loop3A_378 = arith.addf %parallel_loop3A_350, %parallel_loop3A_377 : vector<16xf32>
        %parallel_loop3A_379 = arith.index_cast %parallel_loop3A_178 : i32 to index
        %parallel_loop3A_380 = arith.constant 464 : index
        %parallel_loop3A_381 = tpu.vector_load %arg6[%parallel_loop3A_379, %parallel_loop3A_380] {strides = array<i32>} : memref<64x512xf32, #tpu.memory_space<vmem>>, vector<1x16xf32>,
        %parallel_loop3A_382 = vector.shape_cast %parallel_loop3A_381 : vector<1x16xf32> to vector<16xf32>
        %parallel_loop3A_383 = arith.subf %parallel_loop3A_382, %get3A_91 : vector<16xf32>
        %parallel_loop3A_384 = math.absf %parallel_loop3A_383 : vector<16xf32>
        %parallel_loop3A_385 = arith.addf %parallel_loop3A_357, %parallel_loop3A_384 : vector<16xf32>
        %parallel_loop3A_386 = arith.index_cast %parallel_loop3A_178 : i32 to index
        %parallel_loop3A_387 = arith.constant 480 : index
        %parallel_loop3A_388 = tpu.vector_load %arg6[%parallel_loop3A_386, %parallel_loop3A_387] {strides = array<i32>} : memref<64x512xf32, #tpu.memory_space<vmem>>, vector<1x16xf32>,
        %parallel_loop3A_389 = vector.shape_cast %parallel_loop3A_388 : vector<1x16xf32> to vector<16xf32>
        %parallel_loop3A_390 = arith.subf %parallel_loop3A_389, %get3A_94 : vector<16xf32>
        %parallel_loop3A_391 = math.absf %parallel_loop3A_390 : vector<16xf32>
        %parallel_loop3A_392 = arith.addf %parallel_loop3A_364, %parallel_loop3A_391 : vector<16xf32>
        %parallel_loop3A_393 = arith.index_cast %parallel_loop3A_178 : i32 to index
        %parallel_loop3A_394 = arith.constant 496 : index
        %parallel_loop3A_395 = tpu.vector_load %arg6[%parallel_loop3A_393, %parallel_loop3A_394] {strides = array<i32>} : memref<64x512xf32, #tpu.memory_space<vmem>>, vector<1x16xf32>,
        %parallel_loop3A_396 = vector.shape_cast %parallel_loop3A_395 : vector<1x16xf32> to vector<16xf32>
        %parallel_loop3A_397 = arith.subf %parallel_loop3A_396, %get3A_97 : vector<16xf32>
        %parallel_loop3A_398 = math.absf %parallel_loop3A_397 : vector<16xf32>
        %parallel_loop3A_399 = arith.addf %parallel_loop3A_371, %parallel_loop3A_398 : vector<16xf32>
        %parallel_loop3A_400 = arith.addf %parallel_loop3A_378, %parallel_loop3A_385 : vector<16xf32>
        %parallel_loop3A_401 = arith.addf %parallel_loop3A_392, %parallel_loop3A_399 : vector<16xf32>
        %parallel_loop3A_402 = arith.addf %parallel_loop3A_400, %parallel_loop3A_401 : vector<16xf32>
        %parallel_loop3A_403 = vector.shape_cast %and3A_102 : vector<16xi32> to vector<16x1xi32>
        %parallel_loop3A_404 = vector.shape_cast %parallel_loop3A_403 : vector<16x1xi32> to vector<16xi32>
        %parallel_loop3A_405 = tpu.dynamic_gather %parallel_loop3A_402[%parallel_loop3A_404] in [0] : vector<16xf32>, vector<16xi32> -> vector<16xf32>
        %parallel_loop3A_406 = arith.addf %parallel_loop3A_402, %parallel_loop3A_405 : vector<16xf32>
        %parallel_loop3A_407 = vector.shape_cast %and3A_108 : vector<16xi32> to vector<16x1xi32>
        %parallel_loop3A_408 = vector.shape_cast %parallel_loop3A_407 : vector<16x1xi32> to vector<16xi32>
        %parallel_loop3A_409 = tpu.dynamic_gather %parallel_loop3A_406[%parallel_loop3A_408] in [0] : vector<16xf32>, vector<16xi32> -> vector<16xf32>
        %parallel_loop3A_410 = arith.addf %parallel_loop3A_406, %parallel_loop3A_409 : vector<16xf32>
        %parallel_loop3A_411 = vector.shape_cast %and3A_114 : vector<16xi32> to vector<16x1xi32>
        %parallel_loop3A_412 = vector.shape_cast %parallel_loop3A_411 : vector<16x1xi32> to vector<16xi32>
        %parallel_loop3A_413 = tpu.dynamic_gather %parallel_loop3A_410[%parallel_loop3A_412] in [0] : vector<16xf32>, vector<16xi32> -> vector<16xf32>
        %parallel_loop3A_414 = arith.addf %parallel_loop3A_410, %parallel_loop3A_413 : vector<16xf32>
        %parallel_loop3A_415 = vector.shape_cast %and3A_120 : vector<16xi32> to vector<16x1xi32>
        %parallel_loop3A_416 = vector.shape_cast %parallel_loop3A_415 : vector<16x1xi32> to vector<16xi32>
        %parallel_loop3A_417 = tpu.dynamic_gather %parallel_loop3A_414[%parallel_loop3A_416] in [0] : vector<16xf32>, vector<16xi32> -> vector<16xf32>
        %parallel_loop3A_418 = arith.addf %parallel_loop3A_414, %parallel_loop3A_417 : vector<16xf32>
        %parallel_loop3A_419 = arith.minimumf %parallel_loop3A_179, %parallel_loop3A_418 : vector<16xf32>
        scf.yield %parallel_loop3A_419 : vector<16xf32>
      } {sc.loop_unroll_factor = 2 : i64, sc.parallel_access}
      %add3A_153 = arith.constant 0 : i32
      %add3A_154 = arith.addi %mul3A_144, %add3A_153 : i32
      %add3A_155 = arith.constant 2 : i32
      %add3A_156 = arith.addi %add3A_154, %add3A_155 : i32
      %lt3A = arith.constant 6 : i32
      %lt3A_157 = arith.cmpi slt, %add3A_156, %lt3A : i32
      %convert_element_type3A = arith.extui %lt3A_157 : i1 to i32
      %cond3A = arith.constant 0 : i32
      %cond3A_158 = arith.cmpi ne, %convert_element_type3A, %cond3A : i32
      scf.if %cond3A_158 {
        %add3A_178 = arith.constant 0 : i32
        %add3A_179 = arith.addi %mul3A_144, %add3A_178 : i32
        %add3A_180 = arith.constant 2 : i32
        %add3A_181 = arith.addi %add3A_179, %add3A_180 : i32
        %mul3A_182 = arith.constant 64 : i32
        %mul3A_183 = arith.muli %add3A_181, %mul3A_182 : i32
        %add3A_184 = arith.addi %mul3A_2, %mul3A_183 : i32
        %dma_start3A_185 = arith.constant 0 : i32
        %dma_start3A_186 = tpu.memref_slice %arg3[%add3A_184, %dma_start3A_185] : memref<65536x512xf32, #tpu.memory_space<hbm>> -> memref<64x512xf32, #tpu.memory_space<hbm>>
        %dma_start3A_187 = arith.constant 0 : i32
        %dma_start3A_188 = tpu.memref_slice %arg3[%add3A_184, %dma_start3A_187] : memref<65536x512xf32, #tpu.memory_space<hbm>> -> memref<64x512xf32, #tpu.memory_space<hbm>>
        tpu.enqueue_dma source(%dma_start3A_188 : memref<64x512xf32, #tpu.memory_space<hbm>>) target(%arg6 : memref<64x512xf32, #tpu.memory_space<vmem>>) target_semaphore(%arg9 : memref<!tpu.dma_semaphore, #tpu.memory_space<semaphore_mem>>)
      } else {
      }
      %dma_wait3A_159 = arith.constant 0 : i32
      %dma_wait3A_160 = arith.constant 0 : i32
      %dma_wait3A_161 = tpu.memref_slice %arg3[%dma_wait3A_159, %dma_wait3A_160] : memref<65536x512xf32, #tpu.memory_space<hbm>> -> memref<64x512xf32, #tpu.memory_space<hbm>>
      %dma_wait3A_162 = arith.constant 0 : i32
      %dma_wait3A_163 = arith.constant 0 : i32
      %dma_wait3A_164 = tpu.memref_slice %arg3[%dma_wait3A_162, %dma_wait3A_163] : memref<65536x512xf32, #tpu.memory_space<hbm>> -> memref<64x512xf32, #tpu.memory_space<hbm>>
      tpu.wait_dma2 semaphore(%arg10 : memref<!tpu.dma_semaphore, #tpu.memory_space<semaphore_mem>>) src(%dma_wait3A_164 : memref<64x512xf32, #tpu.memory_space<hbm>>) dst(%arg7 : memref<64x512xf32, #tpu.memory_space<vmem>>)
      %parallel_loop3A_165 = arith.constant 0 : i32
      %parallel_loop3A_166 = arith.constant 64 : i32
      %parallel_loop3A_167 = arith.constant 1 : i32
      %parallel_loop3A_168 = scf.for %parallel_loop3A_178 = %parallel_loop3A_165 to %parallel_loop3A_166 step %parallel_loop3A_167 iter_args(%parallel_loop3A_179 = %parallel_loop3A_152) -> (vector<16xf32>)  : i32 {
        %parallel_loop3A_180 = arith.index_cast %parallel_loop3A_178 : i32 to index
        %parallel_loop3A_181 = arith.constant 0 : index
        %parallel_loop3A_182 = tpu.vector_load %arg7[%parallel_loop3A_180, %parallel_loop3A_181] {strides = array<i32>} : memref<64x512xf32, #tpu.memory_space<vmem>>, vector<1x16xf32>,
        %parallel_loop3A_183 = vector.shape_cast %parallel_loop3A_182 : vector<1x16xf32> to vector<16xf32>
        %parallel_loop3A_184 = arith.subf %parallel_loop3A_183, %get3A_4 : vector<16xf32>
        %parallel_loop3A_185 = math.absf %parallel_loop3A_184 : vector<16xf32>
        %parallel_loop3A_186 = arith.index_cast %parallel_loop3A_178 : i32 to index
        %parallel_loop3A_187 = arith.constant 16 : index
        %parallel_loop3A_188 = tpu.vector_load %arg7[%parallel_loop3A_186, %parallel_loop3A_187] {strides = array<i32>} : memref<64x512xf32, #tpu.memory_space<vmem>>, vector<1x16xf32>,
        %parallel_loop3A_189 = vector.shape_cast %parallel_loop3A_188 : vector<1x16xf32> to vector<16xf32>
        %parallel_loop3A_190 = arith.subf %parallel_loop3A_189, %get3A_7 : vector<16xf32>
        %parallel_loop3A_191 = math.absf %parallel_loop3A_190 : vector<16xf32>
        %parallel_loop3A_192 = arith.index_cast %parallel_loop3A_178 : i32 to index
        %parallel_loop3A_193 = arith.constant 32 : index
        %parallel_loop3A_194 = tpu.vector_load %arg7[%parallel_loop3A_192, %parallel_loop3A_193] {strides = array<i32>} : memref<64x512xf32, #tpu.memory_space<vmem>>, vector<1x16xf32>,
        %parallel_loop3A_195 = vector.shape_cast %parallel_loop3A_194 : vector<1x16xf32> to vector<16xf32>
        %parallel_loop3A_196 = arith.subf %parallel_loop3A_195, %get3A_10 : vector<16xf32>
        %parallel_loop3A_197 = math.absf %parallel_loop3A_196 : vector<16xf32>
        %parallel_loop3A_198 = arith.index_cast %parallel_loop3A_178 : i32 to index
        %parallel_loop3A_199 = arith.constant 48 : index
        %parallel_loop3A_200 = tpu.vector_load %arg7[%parallel_loop3A_198, %parallel_loop3A_199] {strides = array<i32>} : memref<64x512xf32, #tpu.memory_space<vmem>>, vector<1x16xf32>,
        %parallel_loop3A_201 = vector.shape_cast %parallel_loop3A_200 : vector<1x16xf32> to vector<16xf32>
        %parallel_loop3A_202 = arith.subf %parallel_loop3A_201, %get3A_13 : vector<16xf32>
        %parallel_loop3A_203 = math.absf %parallel_loop3A_202 : vector<16xf32>
        %parallel_loop3A_204 = arith.index_cast %parallel_loop3A_178 : i32 to index
        %parallel_loop3A_205 = arith.constant 64 : index
        %parallel_loop3A_206 = tpu.vector_load %arg7[%parallel_loop3A_204, %parallel_loop3A_205] {strides = array<i32>} : memref<64x512xf32, #tpu.memory_space<vmem>>, vector<1x16xf32>,
        %parallel_loop3A_207 = vector.shape_cast %parallel_loop3A_206 : vector<1x16xf32> to vector<16xf32>
        %parallel_loop3A_208 = arith.subf %parallel_loop3A_207, %get3A_16 : vector<16xf32>
        %parallel_loop3A_209 = math.absf %parallel_loop3A_208 : vector<16xf32>
        %parallel_loop3A_210 = arith.addf %parallel_loop3A_185, %parallel_loop3A_209 : vector<16xf32>
        %parallel_loop3A_211 = arith.index_cast %parallel_loop3A_178 : i32 to index
        %parallel_loop3A_212 = arith.constant 80 : index
        %parallel_loop3A_213 = tpu.vector_load %arg7[%parallel_loop3A_211, %parallel_loop3A_212] {strides = array<i32>} : memref<64x512xf32, #tpu.memory_space<vmem>>, vector<1x16xf32>,
        %parallel_loop3A_214 = vector.shape_cast %parallel_loop3A_213 : vector<1x16xf32> to vector<16xf32>
        %parallel_loop3A_215 = arith.subf %parallel_loop3A_214, %get3A_19 : vector<16xf32>
        %parallel_loop3A_216 = math.absf %parallel_loop3A_215 : vector<16xf32>
        %parallel_loop3A_217 = arith.addf %parallel_loop3A_191, %parallel_loop3A_216 : vector<16xf32>
        %parallel_loop3A_218 = arith.index_cast %parallel_loop3A_178 : i32 to index
        %parallel_loop3A_219 = arith.constant 96 : index
        %parallel_loop3A_220 = tpu.vector_load %arg7[%parallel_loop3A_218, %parallel_loop3A_219] {strides = array<i32>} : memref<64x512xf32, #tpu.memory_space<vmem>>, vector<1x16xf32>,
        %parallel_loop3A_221 = vector.shape_cast %parallel_loop3A_220 : vector<1x16xf32> to vector<16xf32>
        %parallel_loop3A_222 = arith.subf %parallel_loop3A_221, %get3A_22 : vector<16xf32>
        %parallel_loop3A_223 = math.absf %parallel_loop3A_222 : vector<16xf32>
        %parallel_loop3A_224 = arith.addf %parallel_loop3A_197, %parallel_loop3A_223 : vector<16xf32>
        %parallel_loop3A_225 = arith.index_cast %parallel_loop3A_178 : i32 to index
        %parallel_loop3A_226 = arith.constant 112 : index
        %parallel_loop3A_227 = tpu.vector_load %arg7[%parallel_loop3A_225, %parallel_loop3A_226] {strides = array<i32>} : memref<64x512xf32, #tpu.memory_space<vmem>>, vector<1x16xf32>,
        %parallel_loop3A_228 = vector.shape_cast %parallel_loop3A_227 : vector<1x16xf32> to vector<16xf32>
        %parallel_loop3A_229 = arith.subf %parallel_loop3A_228, %get3A_25 : vector<16xf32>
        %parallel_loop3A_230 = math.absf %parallel_loop3A_229 : vector<16xf32>
        %parallel_loop3A_231 = arith.addf %parallel_loop3A_203, %parallel_loop3A_230 : vector<16xf32>
        %parallel_loop3A_232 = arith.index_cast %parallel_loop3A_178 : i32 to index
        %parallel_loop3A_233 = arith.constant 128 : index
        %parallel_loop3A_234 = tpu.vector_load %arg7[%parallel_loop3A_232, %parallel_loop3A_233] {strides = array<i32>} : memref<64x512xf32, #tpu.memory_space<vmem>>, vector<1x16xf32>,
        %parallel_loop3A_235 = vector.shape_cast %parallel_loop3A_234 : vector<1x16xf32> to vector<16xf32>
        %parallel_loop3A_236 = arith.subf %parallel_loop3A_235, %get3A_28 : vector<16xf32>
        %parallel_loop3A_237 = math.absf %parallel_loop3A_236 : vector<16xf32>
        %parallel_loop3A_238 = arith.addf %parallel_loop3A_210, %parallel_loop3A_237 : vector<16xf32>
        %parallel_loop3A_239 = arith.index_cast %parallel_loop3A_178 : i32 to index
        %parallel_loop3A_240 = arith.constant 144 : index
        %parallel_loop3A_241 = tpu.vector_load %arg7[%parallel_loop3A_239, %parallel_loop3A_240] {strides = array<i32>} : memref<64x512xf32, #tpu.memory_space<vmem>>, vector<1x16xf32>,
        %parallel_loop3A_242 = vector.shape_cast %parallel_loop3A_241 : vector<1x16xf32> to vector<16xf32>
        %parallel_loop3A_243 = arith.subf %parallel_loop3A_242, %get3A_31 : vector<16xf32>
        %parallel_loop3A_244 = math.absf %parallel_loop3A_243 : vector<16xf32>
        %parallel_loop3A_245 = arith.addf %parallel_loop3A_217, %parallel_loop3A_244 : vector<16xf32>
        %parallel_loop3A_246 = arith.index_cast %parallel_loop3A_178 : i32 to index
        %parallel_loop3A_247 = arith.constant 160 : index
        %parallel_loop3A_248 = tpu.vector_load %arg7[%parallel_loop3A_246, %parallel_loop3A_247] {strides = array<i32>} : memref<64x512xf32, #tpu.memory_space<vmem>>, vector<1x16xf32>,
        %parallel_loop3A_249 = vector.shape_cast %parallel_loop3A_248 : vector<1x16xf32> to vector<16xf32>
        %parallel_loop3A_250 = arith.subf %parallel_loop3A_249, %get3A_34 : vector<16xf32>
        %parallel_loop3A_251 = math.absf %parallel_loop3A_250 : vector<16xf32>
        %parallel_loop3A_252 = arith.addf %parallel_loop3A_224, %parallel_loop3A_251 : vector<16xf32>
        %parallel_loop3A_253 = arith.index_cast %parallel_loop3A_178 : i32 to index
        %parallel_loop3A_254 = arith.constant 176 : index
        %parallel_loop3A_255 = tpu.vector_load %arg7[%parallel_loop3A_253, %parallel_loop3A_254] {strides = array<i32>} : memref<64x512xf32, #tpu.memory_space<vmem>>, vector<1x16xf32>,
        %parallel_loop3A_256 = vector.shape_cast %parallel_loop3A_255 : vector<1x16xf32> to vector<16xf32>
        %parallel_loop3A_257 = arith.subf %parallel_loop3A_256, %get3A_37 : vector<16xf32>
        %parallel_loop3A_258 = math.absf %parallel_loop3A_257 : vector<16xf32>
        %parallel_loop3A_259 = arith.addf %parallel_loop3A_231, %parallel_loop3A_258 : vector<16xf32>
        %parallel_loop3A_260 = arith.index_cast %parallel_loop3A_178 : i32 to index
        %parallel_loop3A_261 = arith.constant 192 : index
        %parallel_loop3A_262 = tpu.vector_load %arg7[%parallel_loop3A_260, %parallel_loop3A_261] {strides = array<i32>} : memref<64x512xf32, #tpu.memory_space<vmem>>, vector<1x16xf32>,
        %parallel_loop3A_263 = vector.shape_cast %parallel_loop3A_262 : vector<1x16xf32> to vector<16xf32>
        %parallel_loop3A_264 = arith.subf %parallel_loop3A_263, %get3A_40 : vector<16xf32>
        %parallel_loop3A_265 = math.absf %parallel_loop3A_264 : vector<16xf32>
        %parallel_loop3A_266 = arith.addf %parallel_loop3A_238, %parallel_loop3A_265 : vector<16xf32>
        %parallel_loop3A_267 = arith.index_cast %parallel_loop3A_178 : i32 to index
        %parallel_loop3A_268 = arith.constant 208 : index
        %parallel_loop3A_269 = tpu.vector_load %arg7[%parallel_loop3A_267, %parallel_loop3A_268] {strides = array<i32>} : memref<64x512xf32, #tpu.memory_space<vmem>>, vector<1x16xf32>,
        %parallel_loop3A_270 = vector.shape_cast %parallel_loop3A_269 : vector<1x16xf32> to vector<16xf32>
        %parallel_loop3A_271 = arith.subf %parallel_loop3A_270, %get3A_43 : vector<16xf32>
        %parallel_loop3A_272 = math.absf %parallel_loop3A_271 : vector<16xf32>
        %parallel_loop3A_273 = arith.addf %parallel_loop3A_245, %parallel_loop3A_272 : vector<16xf32>
        %parallel_loop3A_274 = arith.index_cast %parallel_loop3A_178 : i32 to index
        %parallel_loop3A_275 = arith.constant 224 : index
        %parallel_loop3A_276 = tpu.vector_load %arg7[%parallel_loop3A_274, %parallel_loop3A_275] {strides = array<i32>} : memref<64x512xf32, #tpu.memory_space<vmem>>, vector<1x16xf32>,
        %parallel_loop3A_277 = vector.shape_cast %parallel_loop3A_276 : vector<1x16xf32> to vector<16xf32>
        %parallel_loop3A_278 = arith.subf %parallel_loop3A_277, %get3A_46 : vector<16xf32>
        %parallel_loop3A_279 = math.absf %parallel_loop3A_278 : vector<16xf32>
        %parallel_loop3A_280 = arith.addf %parallel_loop3A_252, %parallel_loop3A_279 : vector<16xf32>
        %parallel_loop3A_281 = arith.index_cast %parallel_loop3A_178 : i32 to index
        %parallel_loop3A_282 = arith.constant 240 : index
        %parallel_loop3A_283 = tpu.vector_load %arg7[%parallel_loop3A_281, %parallel_loop3A_282] {strides = array<i32>} : memref<64x512xf32, #tpu.memory_space<vmem>>, vector<1x16xf32>,
        %parallel_loop3A_284 = vector.shape_cast %parallel_loop3A_283 : vector<1x16xf32> to vector<16xf32>
        %parallel_loop3A_285 = arith.subf %parallel_loop3A_284, %get3A_49 : vector<16xf32>
        %parallel_loop3A_286 = math.absf %parallel_loop3A_285 : vector<16xf32>
        %parallel_loop3A_287 = arith.addf %parallel_loop3A_259, %parallel_loop3A_286 : vector<16xf32>
        %parallel_loop3A_288 = arith.index_cast %parallel_loop3A_178 : i32 to index
        %parallel_loop3A_289 = arith.constant 256 : index
        %parallel_loop3A_290 = tpu.vector_load %arg7[%parallel_loop3A_288, %parallel_loop3A_289] {strides = array<i32>} : memref<64x512xf32, #tpu.memory_space<vmem>>, vector<1x16xf32>,
        %parallel_loop3A_291 = vector.shape_cast %parallel_loop3A_290 : vector<1x16xf32> to vector<16xf32>
        %parallel_loop3A_292 = arith.subf %parallel_loop3A_291, %get3A_52 : vector<16xf32>
        %parallel_loop3A_293 = math.absf %parallel_loop3A_292 : vector<16xf32>
        %parallel_loop3A_294 = arith.addf %parallel_loop3A_266, %parallel_loop3A_293 : vector<16xf32>
        %parallel_loop3A_295 = arith.index_cast %parallel_loop3A_178 : i32 to index
        %parallel_loop3A_296 = arith.constant 272 : index
        %parallel_loop3A_297 = tpu.vector_load %arg7[%parallel_loop3A_295, %parallel_loop3A_296] {strides = array<i32>} : memref<64x512xf32, #tpu.memory_space<vmem>>, vector<1x16xf32>,
        %parallel_loop3A_298 = vector.shape_cast %parallel_loop3A_297 : vector<1x16xf32> to vector<16xf32>
        %parallel_loop3A_299 = arith.subf %parallel_loop3A_298, %get3A_55 : vector<16xf32>
        %parallel_loop3A_300 = math.absf %parallel_loop3A_299 : vector<16xf32>
        %parallel_loop3A_301 = arith.addf %parallel_loop3A_273, %parallel_loop3A_300 : vector<16xf32>
        %parallel_loop3A_302 = arith.index_cast %parallel_loop3A_178 : i32 to index
        %parallel_loop3A_303 = arith.constant 288 : index
        %parallel_loop3A_304 = tpu.vector_load %arg7[%parallel_loop3A_302, %parallel_loop3A_303] {strides = array<i32>} : memref<64x512xf32, #tpu.memory_space<vmem>>, vector<1x16xf32>,
        %parallel_loop3A_305 = vector.shape_cast %parallel_loop3A_304 : vector<1x16xf32> to vector<16xf32>
        %parallel_loop3A_306 = arith.subf %parallel_loop3A_305, %get3A_58 : vector<16xf32>
        %parallel_loop3A_307 = math.absf %parallel_loop3A_306 : vector<16xf32>
        %parallel_loop3A_308 = arith.addf %parallel_loop3A_280, %parallel_loop3A_307 : vector<16xf32>
        %parallel_loop3A_309 = arith.index_cast %parallel_loop3A_178 : i32 to index
        %parallel_loop3A_310 = arith.constant 304 : index
        %parallel_loop3A_311 = tpu.vector_load %arg7[%parallel_loop3A_309, %parallel_loop3A_310] {strides = array<i32>} : memref<64x512xf32, #tpu.memory_space<vmem>>, vector<1x16xf32>,
        %parallel_loop3A_312 = vector.shape_cast %parallel_loop3A_311 : vector<1x16xf32> to vector<16xf32>
        %parallel_loop3A_313 = arith.subf %parallel_loop3A_312, %get3A_61 : vector<16xf32>
        %parallel_loop3A_314 = math.absf %parallel_loop3A_313 : vector<16xf32>
        %parallel_loop3A_315 = arith.addf %parallel_loop3A_287, %parallel_loop3A_314 : vector<16xf32>
        %parallel_loop3A_316 = arith.index_cast %parallel_loop3A_178 : i32 to index
        %parallel_loop3A_317 = arith.constant 320 : index
        %parallel_loop3A_318 = tpu.vector_load %arg7[%parallel_loop3A_316, %parallel_loop3A_317] {strides = array<i32>} : memref<64x512xf32, #tpu.memory_space<vmem>>, vector<1x16xf32>,
        %parallel_loop3A_319 = vector.shape_cast %parallel_loop3A_318 : vector<1x16xf32> to vector<16xf32>
        %parallel_loop3A_320 = arith.subf %parallel_loop3A_319, %get3A_64 : vector<16xf32>
        %parallel_loop3A_321 = math.absf %parallel_loop3A_320 : vector<16xf32>
        %parallel_loop3A_322 = arith.addf %parallel_loop3A_294, %parallel_loop3A_321 : vector<16xf32>
        %parallel_loop3A_323 = arith.index_cast %parallel_loop3A_178 : i32 to index
        %parallel_loop3A_324 = arith.constant 336 : index
        %parallel_loop3A_325 = tpu.vector_load %arg7[%parallel_loop3A_323, %parallel_loop3A_324] {strides = array<i32>} : memref<64x512xf32, #tpu.memory_space<vmem>>, vector<1x16xf32>,
        %parallel_loop3A_326 = vector.shape_cast %parallel_loop3A_325 : vector<1x16xf32> to vector<16xf32>
        %parallel_loop3A_327 = arith.subf %parallel_loop3A_326, %get3A_67 : vector<16xf32>
        %parallel_loop3A_328 = math.absf %parallel_loop3A_327 : vector<16xf32>
        %parallel_loop3A_329 = arith.addf %parallel_loop3A_301, %parallel_loop3A_328 : vector<16xf32>
        %parallel_loop3A_330 = arith.index_cast %parallel_loop3A_178 : i32 to index
        %parallel_loop3A_331 = arith.constant 352 : index
        %parallel_loop3A_332 = tpu.vector_load %arg7[%parallel_loop3A_330, %parallel_loop3A_331] {strides = array<i32>} : memref<64x512xf32, #tpu.memory_space<vmem>>, vector<1x16xf32>,
        %parallel_loop3A_333 = vector.shape_cast %parallel_loop3A_332 : vector<1x16xf32> to vector<16xf32>
        %parallel_loop3A_334 = arith.subf %parallel_loop3A_333, %get3A_70 : vector<16xf32>
        %parallel_loop3A_335 = math.absf %parallel_loop3A_334 : vector<16xf32>
        %parallel_loop3A_336 = arith.addf %parallel_loop3A_308, %parallel_loop3A_335 : vector<16xf32>
        %parallel_loop3A_337 = arith.index_cast %parallel_loop3A_178 : i32 to index
        %parallel_loop3A_338 = arith.constant 368 : index
        %parallel_loop3A_339 = tpu.vector_load %arg7[%parallel_loop3A_337, %parallel_loop3A_338] {strides = array<i32>} : memref<64x512xf32, #tpu.memory_space<vmem>>, vector<1x16xf32>,
        %parallel_loop3A_340 = vector.shape_cast %parallel_loop3A_339 : vector<1x16xf32> to vector<16xf32>
        %parallel_loop3A_341 = arith.subf %parallel_loop3A_340, %get3A_73 : vector<16xf32>
        %parallel_loop3A_342 = math.absf %parallel_loop3A_341 : vector<16xf32>
        %parallel_loop3A_343 = arith.addf %parallel_loop3A_315, %parallel_loop3A_342 : vector<16xf32>
        %parallel_loop3A_344 = arith.index_cast %parallel_loop3A_178 : i32 to index
        %parallel_loop3A_345 = arith.constant 384 : index
        %parallel_loop3A_346 = tpu.vector_load %arg7[%parallel_loop3A_344, %parallel_loop3A_345] {strides = array<i32>} : memref<64x512xf32, #tpu.memory_space<vmem>>, vector<1x16xf32>,
        %parallel_loop3A_347 = vector.shape_cast %parallel_loop3A_346 : vector<1x16xf32> to vector<16xf32>
        %parallel_loop3A_348 = arith.subf %parallel_loop3A_347, %get3A_76 : vector<16xf32>
        %parallel_loop3A_349 = math.absf %parallel_loop3A_348 : vector<16xf32>
        %parallel_loop3A_350 = arith.addf %parallel_loop3A_322, %parallel_loop3A_349 : vector<16xf32>
        %parallel_loop3A_351 = arith.index_cast %parallel_loop3A_178 : i32 to index
        %parallel_loop3A_352 = arith.constant 400 : index
        %parallel_loop3A_353 = tpu.vector_load %arg7[%parallel_loop3A_351, %parallel_loop3A_352] {strides = array<i32>} : memref<64x512xf32, #tpu.memory_space<vmem>>, vector<1x16xf32>,
        %parallel_loop3A_354 = vector.shape_cast %parallel_loop3A_353 : vector<1x16xf32> to vector<16xf32>
        %parallel_loop3A_355 = arith.subf %parallel_loop3A_354, %get3A_79 : vector<16xf32>
        %parallel_loop3A_356 = math.absf %parallel_loop3A_355 : vector<16xf32>
        %parallel_loop3A_357 = arith.addf %parallel_loop3A_329, %parallel_loop3A_356 : vector<16xf32>
        %parallel_loop3A_358 = arith.index_cast %parallel_loop3A_178 : i32 to index
        %parallel_loop3A_359 = arith.constant 416 : index
        %parallel_loop3A_360 = tpu.vector_load %arg7[%parallel_loop3A_358, %parallel_loop3A_359] {strides = array<i32>} : memref<64x512xf32, #tpu.memory_space<vmem>>, vector<1x16xf32>,
        %parallel_loop3A_361 = vector.shape_cast %parallel_loop3A_360 : vector<1x16xf32> to vector<16xf32>
        %parallel_loop3A_362 = arith.subf %parallel_loop3A_361, %get3A_82 : vector<16xf32>
        %parallel_loop3A_363 = math.absf %parallel_loop3A_362 : vector<16xf32>
        %parallel_loop3A_364 = arith.addf %parallel_loop3A_336, %parallel_loop3A_363 : vector<16xf32>
        %parallel_loop3A_365 = arith.index_cast %parallel_loop3A_178 : i32 to index
        %parallel_loop3A_366 = arith.constant 432 : index
        %parallel_loop3A_367 = tpu.vector_load %arg7[%parallel_loop3A_365, %parallel_loop3A_366] {strides = array<i32>} : memref<64x512xf32, #tpu.memory_space<vmem>>, vector<1x16xf32>,
        %parallel_loop3A_368 = vector.shape_cast %parallel_loop3A_367 : vector<1x16xf32> to vector<16xf32>
        %parallel_loop3A_369 = arith.subf %parallel_loop3A_368, %get3A_85 : vector<16xf32>
        %parallel_loop3A_370 = math.absf %parallel_loop3A_369 : vector<16xf32>
        %parallel_loop3A_371 = arith.addf %parallel_loop3A_343, %parallel_loop3A_370 : vector<16xf32>
        %parallel_loop3A_372 = arith.index_cast %parallel_loop3A_178 : i32 to index
        %parallel_loop3A_373 = arith.constant 448 : index
        %parallel_loop3A_374 = tpu.vector_load %arg7[%parallel_loop3A_372, %parallel_loop3A_373] {strides = array<i32>} : memref<64x512xf32, #tpu.memory_space<vmem>>, vector<1x16xf32>,
        %parallel_loop3A_375 = vector.shape_cast %parallel_loop3A_374 : vector<1x16xf32> to vector<16xf32>
        %parallel_loop3A_376 = arith.subf %parallel_loop3A_375, %get3A_88 : vector<16xf32>
        %parallel_loop3A_377 = math.absf %parallel_loop3A_376 : vector<16xf32>
        %parallel_loop3A_378 = arith.addf %parallel_loop3A_350, %parallel_loop3A_377 : vector<16xf32>
        %parallel_loop3A_379 = arith.index_cast %parallel_loop3A_178 : i32 to index
        %parallel_loop3A_380 = arith.constant 464 : index
        %parallel_loop3A_381 = tpu.vector_load %arg7[%parallel_loop3A_379, %parallel_loop3A_380] {strides = array<i32>} : memref<64x512xf32, #tpu.memory_space<vmem>>, vector<1x16xf32>,
        %parallel_loop3A_382 = vector.shape_cast %parallel_loop3A_381 : vector<1x16xf32> to vector<16xf32>
        %parallel_loop3A_383 = arith.subf %parallel_loop3A_382, %get3A_91 : vector<16xf32>
        %parallel_loop3A_384 = math.absf %parallel_loop3A_383 : vector<16xf32>
        %parallel_loop3A_385 = arith.addf %parallel_loop3A_357, %parallel_loop3A_384 : vector<16xf32>
        %parallel_loop3A_386 = arith.index_cast %parallel_loop3A_178 : i32 to index
        %parallel_loop3A_387 = arith.constant 480 : index
        %parallel_loop3A_388 = tpu.vector_load %arg7[%parallel_loop3A_386, %parallel_loop3A_387] {strides = array<i32>} : memref<64x512xf32, #tpu.memory_space<vmem>>, vector<1x16xf32>,
        %parallel_loop3A_389 = vector.shape_cast %parallel_loop3A_388 : vector<1x16xf32> to vector<16xf32>
        %parallel_loop3A_390 = arith.subf %parallel_loop3A_389, %get3A_94 : vector<16xf32>
        %parallel_loop3A_391 = math.absf %parallel_loop3A_390 : vector<16xf32>
        %parallel_loop3A_392 = arith.addf %parallel_loop3A_364, %parallel_loop3A_391 : vector<16xf32>
        %parallel_loop3A_393 = arith.index_cast %parallel_loop3A_178 : i32 to index
        %parallel_loop3A_394 = arith.constant 496 : index
        %parallel_loop3A_395 = tpu.vector_load %arg7[%parallel_loop3A_393, %parallel_loop3A_394] {strides = array<i32>} : memref<64x512xf32, #tpu.memory_space<vmem>>, vector<1x16xf32>,
        %parallel_loop3A_396 = vector.shape_cast %parallel_loop3A_395 : vector<1x16xf32> to vector<16xf32>
        %parallel_loop3A_397 = arith.subf %parallel_loop3A_396, %get3A_97 : vector<16xf32>
        %parallel_loop3A_398 = math.absf %parallel_loop3A_397 : vector<16xf32>
        %parallel_loop3A_399 = arith.addf %parallel_loop3A_371, %parallel_loop3A_398 : vector<16xf32>
        %parallel_loop3A_400 = arith.addf %parallel_loop3A_378, %parallel_loop3A_385 : vector<16xf32>
        %parallel_loop3A_401 = arith.addf %parallel_loop3A_392, %parallel_loop3A_399 : vector<16xf32>
        %parallel_loop3A_402 = arith.addf %parallel_loop3A_400, %parallel_loop3A_401 : vector<16xf32>
        %parallel_loop3A_403 = vector.shape_cast %and3A_102 : vector<16xi32> to vector<16x1xi32>
        %parallel_loop3A_404 = vector.shape_cast %parallel_loop3A_403 : vector<16x1xi32> to vector<16xi32>
        %parallel_loop3A_405 = tpu.dynamic_gather %parallel_loop3A_402[%parallel_loop3A_404] in [0] : vector<16xf32>, vector<16xi32> -> vector<16xf32>
        %parallel_loop3A_406 = arith.addf %parallel_loop3A_402, %parallel_loop3A_405 : vector<16xf32>
        %parallel_loop3A_407 = vector.shape_cast %and3A_108 : vector<16xi32> to vector<16x1xi32>
        %parallel_loop3A_408 = vector.shape_cast %parallel_loop3A_407 : vector<16x1xi32> to vector<16xi32>
        %parallel_loop3A_409 = tpu.dynamic_gather %parallel_loop3A_406[%parallel_loop3A_408] in [0] : vector<16xf32>, vector<16xi32> -> vector<16xf32>
        %parallel_loop3A_410 = arith.addf %parallel_loop3A_406, %parallel_loop3A_409 : vector<16xf32>
        %parallel_loop3A_411 = vector.shape_cast %and3A_114 : vector<16xi32> to vector<16x1xi32>
        %parallel_loop3A_412 = vector.shape_cast %parallel_loop3A_411 : vector<16x1xi32> to vector<16xi32>
        %parallel_loop3A_413 = tpu.dynamic_gather %parallel_loop3A_410[%parallel_loop3A_412] in [0] : vector<16xf32>, vector<16xi32> -> vector<16xf32>
        %parallel_loop3A_414 = arith.addf %parallel_loop3A_410, %parallel_loop3A_413 : vector<16xf32>
        %parallel_loop3A_415 = vector.shape_cast %and3A_120 : vector<16xi32> to vector<16x1xi32>
        %parallel_loop3A_416 = vector.shape_cast %parallel_loop3A_415 : vector<16x1xi32> to vector<16xi32>
        %parallel_loop3A_417 = tpu.dynamic_gather %parallel_loop3A_414[%parallel_loop3A_416] in [0] : vector<16xf32>, vector<16xi32> -> vector<16xf32>
        %parallel_loop3A_418 = arith.addf %parallel_loop3A_414, %parallel_loop3A_417 : vector<16xf32>
        %parallel_loop3A_419 = arith.minimumf %parallel_loop3A_179, %parallel_loop3A_418 : vector<16xf32>
        scf.yield %parallel_loop3A_419 : vector<16xf32>
      } {sc.loop_unroll_factor = 2 : i64, sc.parallel_access}
      %add3A_169 = arith.constant 1 : i32
      %add3A_170 = arith.addi %mul3A_144, %add3A_169 : i32
      %add3A_171 = arith.constant 2 : i32
      %add3A_172 = arith.addi %add3A_170, %add3A_171 : i32
      %lt3A_173 = arith.constant 6 : i32
      %lt3A_174 = arith.cmpi slt, %add3A_172, %lt3A_173 : i32
      %convert_element_type3A_175 = arith.extui %lt3A_174 : i1 to i32
      %cond3A_176 = arith.constant 0 : i32
      %cond3A_177 = arith.cmpi ne, %convert_element_type3A_175, %cond3A_176 : i32
      scf.if %cond3A_177 {
        %add3A_178 = arith.constant 1 : i32
        %add3A_179 = arith.addi %mul3A_144, %add3A_178 : i32
        %add3A_180 = arith.constant 2 : i32
        %add3A_181 = arith.addi %add3A_179, %add3A_180 : i32
        %mul3A_182 = arith.constant 64 : i32
        %mul3A_183 = arith.muli %add3A_181, %mul3A_182 : i32
        %add3A_184 = arith.addi %mul3A_2, %mul3A_183 : i32
        %dma_start3A_185 = arith.constant 0 : i32
        %dma_start3A_186 = tpu.memref_slice %arg3[%add3A_184, %dma_start3A_185] : memref<65536x512xf32, #tpu.memory_space<hbm>> -> memref<64x512xf32, #tpu.memory_space<hbm>>
        %dma_start3A_187 = arith.constant 0 : i32
        %dma_start3A_188 = tpu.memref_slice %arg3[%add3A_184, %dma_start3A_187] : memref<65536x512xf32, #tpu.memory_space<hbm>> -> memref<64x512xf32, #tpu.memory_space<hbm>>
        tpu.enqueue_dma source(%dma_start3A_188 : memref<64x512xf32, #tpu.memory_space<hbm>>) target(%arg7 : memref<64x512xf32, #tpu.memory_space<vmem>>) target_semaphore(%arg10 : memref<!tpu.dma_semaphore, #tpu.memory_space<semaphore_mem>>)
      } else {
      }
      scf.yield %parallel_loop3A_168 : vector<16xf32>
    }
    %scan3A_137 = arith.constant 3 : i32
    %swap3A = arith.constant 0 : index
    %swap3A_138 = tpu.vector_load %arg8[%swap3A] {strides = array<i32>} : memref<16xf32, #tpu.memory_space<vmem>>, vector<16xf32>,
    %swap3A_139 = vector.shape_cast %swap3A_138 : vector<16xf32> to vector<16xf32>
    %swap3A_140 = vector.shape_cast %scan3A_136 : vector<16xf32> to vector<16xf32>
    tpu.vector_store %arg8[%swap3A], %swap3A_140 {strides = array<i32>} : memref<16xf32, #tpu.memory_space<vmem>>, vector<16xf32>,
    "tpu.region"() ({
      %run_scoped3A = tpu.sem_alloc : memref<!tpu.dma_semaphore, #tpu.memory_space<semaphore_mem>>
      %dma_start3A_141 = arith.constant 0 : i32
      %dma_start3A_142 = tpu.memref_slice %arg4[%add3A, %dma_start3A_141] : memref<32x16xf32, #tpu.memory_space<hbm>> -> memref<1x16xf32, #tpu.memory_space<hbm>>
      %dma_start3A_143 = tpu.memref_squeeze %dma_start3A_142 : memref<1x16xf32, #tpu.memory_space<hbm>> -> memref<16xf32, #tpu.memory_space<hbm>>
      %dma_start3A_144 = arith.constant 0 : i32
      %dma_start3A_145 = tpu.memref_slice %arg4[%add3A, %dma_start3A_144] : memref<32x16xf32, #tpu.memory_space<hbm>> -> memref<1x16xf32, #tpu.memory_space<hbm>>
      %dma_start3A_146 = tpu.memref_squeeze %dma_start3A_145 : memref<1x16xf32, #tpu.memory_space<hbm>> -> memref<16xf32, #tpu.memory_space<hbm>>
      tpu.enqueue_dma source(%arg8 : memref<16xf32, #tpu.memory_space<vmem>>) target(%dma_start3A_146 : memref<16xf32, #tpu.memory_space<hbm>>) target_semaphore(%run_scoped3A : memref<!tpu.dma_semaphore, #tpu.memory_space<semaphore_mem>>)
      %dma_wait3A = arith.constant 0 : i32
      %dma_wait3A_147 = tpu.memref_slice %arg4[%add3A, %dma_wait3A] : memref<32x16xf32, #tpu.memory_space<hbm>> -> memref<1x16xf32, #tpu.memory_space<hbm>>
      %dma_wait3A_148 = tpu.memref_squeeze %dma_wait3A_147 : memref<1x16xf32, #tpu.memory_space<hbm>> -> memref<16xf32, #tpu.memory_space<hbm>>
      %dma_wait3A_149 = arith.constant 0 : i32
      %dma_wait3A_150 = tpu.memref_slice %arg4[%add3A, %dma_wait3A_149] : memref<32x16xf32, #tpu.memory_space<hbm>> -> memref<1x16xf32, #tpu.memory_space<hbm>>
      %dma_wait3A_151 = tpu.memref_squeeze %dma_wait3A_150 : memref<1x16xf32, #tpu.memory_space<hbm>> -> memref<16xf32, #tpu.memory_space<hbm>>
      tpu.wait_dma2 semaphore(%run_scoped3A : memref<!tpu.dma_semaphore, #tpu.memory_space<semaphore_mem>>) src(%arg8 : memref<16xf32, #tpu.memory_space<vmem>>) dst(%dma_wait3A_151 : memref<16xf32, #tpu.memory_space<hbm>>)
      tpu.yield
    }) : () -> ()
    return
  }
}

module attributes {stable_mosaic.version = 14 : i64} {
  func.func @_encoder_body(%arg0: memref<1x256xf32, #tpu.memory_space<vmem>>, %arg1: memref<1x256xf32, #tpu.memory_space<vmem>>, %arg2: memref<1x256xf32, #tpu.memory_space<vmem>>, %arg3: memref<256x512xf32, #tpu.memory_space<vmem>>, %arg4: memref<1x512xf32, #tpu.memory_space<vmem>>, %arg5: memref<1x512xf32, #tpu.memory_space<vmem>>) attributes {dimension_semantics = [], scalar_prefetch = 0 : i64, scratch_operands = 0 : i64, tpu.core_type = #tpu.core_type<tc>} {
    %get3A = arith.constant 0 : index
    %get3A_0 = arith.constant 0 : index
    %get3A_1 = vector.load %arg0[%get3A, %get3A_0] : memref<1x256xf32, #tpu.memory_space<vmem>>, vector<1x256xf32>
    %get3A_2 = arith.constant 0 : index
    %get3A_3 = arith.constant 0 : index
    %get3A_4 = vector.load %arg1[%get3A_2, %get3A_3] : memref<1x256xf32, #tpu.memory_space<vmem>>, vector<1x256xf32>
    %get3A_5 = arith.constant 0 : index
    %get3A_6 = arith.constant 0 : index
    %get3A_7 = vector.load %arg2[%get3A_5, %get3A_6] : memref<1x256xf32, #tpu.memory_space<vmem>>, vector<1x256xf32>
    %sub3A = arith.subf %get3A_1, %get3A_4 : vector<1x256xf32>
    %div3A = arith.divf %sub3A, %get3A_7 : vector<1x256xf32>
    %eq3A = arith.constant 0.000000e+00 : f32
    %eq3A_8 = vector.broadcast %eq3A : f32 to vector<1x256xf32>
    %eq3A_9 = arith.cmpf oeq, %get3A_7, %eq3A_8 : vector<1x256xf32>
    %broadcast_in_dim3A = arith.constant 0.000000e+00 : f32
    %broadcast_in_dim3A_10 = vector.broadcast %broadcast_in_dim3A : f32 to vector<1x256xf32>
    %select_n3A = arith.select %eq3A_9, %broadcast_in_dim3A_10, %div3A : vector<1x256xi1>, vector<1x256xf32>
    %get3A_11 = arith.constant 0 : index
    %get3A_12 = arith.constant 0 : index
    %get3A_13 = vector.load %arg3[%get3A_11, %get3A_12] : memref<256x512xf32, #tpu.memory_space<vmem>>, vector<256x512xf32>
    %dot_general3A = arith.constant dense<0.000000e+00> : vector<1x512xf32>
    %dot_general3A_14 = tpu.matmul %select_n3A, %get3A_13, %dot_general3A {dimension_numbers = #tpu.dot_dimension_numbers<[1], [0], [0], [1], [0, 0, 1, 1], [], []>, transpose_lhs_hint = false} : vector<1x256xf32>, vector<256x512xf32>, vector<1x512xf32> -> vector<1x512xf32>
    %get3A_15 = arith.constant 0 : index
    %get3A_16 = arith.constant 0 : index
    %get3A_17 = vector.load %arg4[%get3A_15, %get3A_16] : memref<1x512xf32, #tpu.memory_space<vmem>>, vector<1x512xf32>
    %add3A = arith.addf %dot_general3A_14, %get3A_17 : vector<1x512xf32>
    %tanh3A = math.tanh %add3A : vector<1x512xf32>
    %swap3A = arith.constant 0 : index
    %swap3A_18 = arith.constant 0 : index
    %swap3A_19 = vector.load %arg5[%swap3A, %swap3A_18] : memref<1x512xf32, #tpu.memory_space<vmem>>, vector<1x512xf32>
    tpu.vector_store %arg5[%swap3A, %swap3A_18], %tanh3A {strides = array<i32>} : memref<1x512xf32, #tpu.memory_space<vmem>>, vector<1x512xf32>,
    return
  }
}

module attributes {stable_mosaic.version = 14 : i64} {
  func.func @_tc_dist_body(%arg0: i32, %arg1: memref<1x512xf32, #tpu.memory_space<vmem>>, %arg2: memref<4096x512xf32, #tpu.memory_space<vmem>>, %arg3: memref<1xf32, #tpu.memory_space<smem>>, %arg4: memref<1xf32, #tpu.memory_space<smem>>) attributes {dimension_semantics = [#tpu.dimension_semantics<arbitrary>], iteration_bounds = array<i64: 13>, scalar_prefetch = 0 : i64, scratch_operands = 1 : i64, tpu.core_type = #tpu.core_type<tc>, window_params = [{pipeline_mode = #tpu.pipeline_mode<synchronous>, transform_indices = @transform_0, window_bounds = array<i64: 1, 512>}, {transform_indices = @transform_1, window_bounds = array<i64: 4096, 512>}, {transform_indices = @transform_2, window_bounds = array<i64: 1>}]} {
    %eq3A = arith.constant 0 : i32
    %eq3A_0 = arith.cmpi eq, %arg0, %eq3A : i32
    %convert_element_type3A = arith.extui %eq3A_0 : i1 to i32
    %cond3A = arith.constant 0 : i32
    %cond3A_1 = arith.cmpi ne, %convert_element_type3A, %cond3A : i32
    scf.if %cond3A_1 {
      %swap3A_21 = arith.constant 0x7F800000 : f32
      %swap3A_22 = arith.constant 0 : index
      %swap3A_23 = memref.load %arg4[%swap3A_22] : memref<1xf32, #tpu.memory_space<smem>>
      memref.store %swap3A_21, %arg4[%swap3A_22] : memref<1xf32, #tpu.memory_space<smem>>
    } else {
    }
    %get3A = arith.constant 0 : index
    %get3A_2 = arith.constant 0 : index
    %get3A_3 = vector.load %arg1[%get3A, %get3A_2] : memref<1x512xf32, #tpu.memory_space<vmem>>, vector<1x512xf32>
    %get3A_4 = arith.constant 0 : index
    %get3A_5 = arith.constant 0 : index
    %get3A_6 = vector.load %arg2[%get3A_4, %get3A_5] : memref<4096x512xf32, #tpu.memory_space<vmem>>, vector<4096x512xf32>
    %sub3A = vector.broadcast %get3A_3 : vector<1x512xf32> to vector<4096x512xf32>
    %sub3A_7 = arith.subf %get3A_6, %sub3A : vector<4096x512xf32>
    %abs3A = math.absf %sub3A_7 : vector<4096x512xf32>
    %reduce_sum3A = arith.constant dense<0.000000e+00> : vector<4096xf32>
    %reduce_sum3A_8 = vector.multi_reduction <add>, %abs3A, %reduce_sum3A [1] : vector<4096x512xf32> to vector<4096xf32>
    %get3A_9 = arith.constant 0 : index
    %get3A_10 = memref.load %arg4[%get3A_9] : memref<1xf32, #tpu.memory_space<smem>>
    %reduce_min3A = vector.shape_cast %reduce_sum3A_8 : vector<4096xf32> to vector<1x4096xf32>
    %reduce_min3A_11 = arith.constant dense<0x7F800000> : vector<1xf32>
    %reduce_min3A_12 = vector.multi_reduction <minimumf>, %reduce_min3A, %reduce_min3A_11 [1] : vector<1x4096xf32> to vector<1xf32>
    %reduce_min3A_13 = vector.shape_cast %reduce_min3A_12 : vector<1xf32> to vector<1x1xf32>
    %reduce_min3A_14 = vector.extract %reduce_min3A_13[0, 0] : f32 from vector<1x1xf32>
    %min3A = arith.minimumf %get3A_10, %reduce_min3A_14 : f32
    %swap3A = arith.constant 0 : index
    %swap3A_15 = memref.load %arg4[%swap3A] : memref<1xf32, #tpu.memory_space<smem>>
    memref.store %min3A, %arg4[%swap3A] : memref<1xf32, #tpu.memory_space<smem>>
    %eq3A_16 = arith.constant 12 : i32
    %eq3A_17 = arith.cmpi eq, %arg0, %eq3A_16 : i32
    %convert_element_type3A_18 = arith.extui %eq3A_17 : i1 to i32
    %cond3A_19 = arith.constant 0 : i32
    %cond3A_20 = arith.cmpi ne, %convert_element_type3A_18, %cond3A_19 : i32
    scf.if %cond3A_20 {
      %get3A_21 = arith.constant 0 : index
      %get3A_22 = memref.load %arg4[%get3A_21] : memref<1xf32, #tpu.memory_space<smem>>
      %swap3A_23 = arith.constant 0 : index
      %swap3A_24 = memref.load %arg3[%swap3A_23] : memref<1xf32, #tpu.memory_space<smem>>
      memref.store %get3A_22, %arg3[%swap3A_23] : memref<1xf32, #tpu.memory_space<smem>>
    } else {
    }
    return
  }
  func.func @transform_0(%arg0: i32) -> (i32, i32) {
    %c0_i32 = arith.constant 0 : i32
    %c0_i32_0 = arith.constant 0 : i32
    %c0_i32_1 = arith.constant 0 : i32
    return %c0_i32, %c0_i32_0 : i32, i32
  }
  func.func @transform_1(%arg0: i32) -> (i32, i32) {
    %add3A = arith.constant 3 : i32
    %add3A_0 = arith.addi %arg0, %add3A : i32
    %c0_i32 = arith.constant 0 : i32
    %c0_i32_1 = arith.constant 0 : i32
    return %add3A_0, %c0_i32 : i32, i32
  }
  func.func @transform_2(%arg0: i32) -> i32 {
    %c0_i32 = arith.constant 0 : i32
    %c0_i32_0 = arith.constant 0 : i32
    return %c0_i32 : i32
  }
}

</mosaic_0001>

<sc_bundles>
// kernel: kernel.5.cloned.1.call-start
scs
__scs_entry_jumppad:
0x0: {  	(pc) =	sbr.rel $0x88, $3  }
0x1: {  	(tag) =	ssettag $0x0;
	lr =	simm.s32 $0x1  }
0x2: {  	[smem:$0x3F9B] =	sst lr;
	_ =	strace $0xD0000000  }
0x3: {  	_ = 	snop  }
0x4: {  	_ = 	snop  }
0x5: {  	_ = 	snop  }
0x6: {  	_ = 	snop  }
0x7: {  	_ = 	snop  }
__scs_overlays_trampoline_lowered:
0x8: {  	[smem:$0x3FAA] =	sst s0  }
0x9: {  	[smem:$0x3FAB] =	sst s1  }
0xa: {  	[smem:$0x3FAC] =	sst s2  }
0xb: {  	[smem:$0x3FAD] =	sst s3  }
0xc: {  	[smem:$0x3FAE] =	sst s4  }
0xd: {  	[smem:$0x3FAF] =	sst s5  }
0xe: {  	[smem:$0x3FB0] =	sst s6  }
0xf: {  	[smem:$0x3FB1] =	sst s7  }
0x10: {  	[smem:$0x3FB2] =	sst s8  }
0x11: {  	[smem:$0x3FB3] =	sst s9;
	s0 =	simm.s32 @!p0 $0x0  }
0x12: {  	s1 =	sld [smem:$0x3F99];
	s0 =	simm.s32 @p0 $0x1  }
0x13: {  	[smem:$0x3FB4] =	sst s0;
	s0 =	simm.s32 @!p1 $0x0  }
0x14: {  	s2 =	sld [smem:$0x3F98];
	s0 =	simm.s32 @p1 $0x1  }
0x15: {  	[smem:$0x3FB5] =	sst s0;
	s0 =	simm.s32 @!p2 $0x0  }
0x16: {  	s3 =	sld [smem:$0x3FDB];
	s0 =	simm.s32 @p2 $0x1  }
0x17: {  	s4 =	simm.s32 $0x1BF5;
	[smem:$0x3FB7] =	sst s0  }
0x18: {  	s0 =	sld [smem:$0x3F9A];
	_ =	swait.ge [sflag:s4], $0x0  }
0x19: {  	s7 =	sld [smem:$0x3F9B]  }
0x1a: {  	s8 =	sadd.s32 $0xFFFFE003, lr  }
0x1b: {  	s9 =	sadd.s32 $0xFFFFFEF7, lr;
	s5 =	simm.s32 $0xFFFFFFFF;
	p2 =	slt.u32 s8, $0xFFFFF086  }
0x1c: {  	p1 =	slt.u32 s9, $0xF7A;
	s5 =	simm.s32 @!p2 $0x0  }
0x1d: {  	s5 =	simm.s32 @p1 $0x1;
	p0 =	seq.s32 s7, s2  }
0x1e: {  	s7 =	smul.u32 @!p0 $0xF7A, s2;
	p2 =	seq.s32 @!p0 s5, $0x0  }
0x1f: {  	s9 =	smul.u32 $0xF7A, s1;
	s8 =	simm.s32 @!p0 $0x1BF5;
	p2 =	por !p2, p0  }
0x20: {  	[sflag:s8] =	ssyncset.s32 @!p0 $0xFFFFF086;
	s6 =	sadd.s32 @!p0 s3, s7;
	s7 =	simm.s32 @!p0 $0x108  }
0x21: {  	s3 =	sadd.s32 s3, s9;
	s6 =	sadd.s32 @!p0 $0x88, s6;
	s7 =	simm.s32 @p2 $0x1082  }
0x22: {  	[simem:s7], [sflag:s8] =	dma.local @!p0 [hbm:s6], $0xF7A  }
0x23: {  	s9 =	sor.u32 $0xD0000000, s2;
	s6 =	simm.s32 $0x108;
	_ =	swait.ge @!p0 [sflag:s8], $0x0  }
0x24: {  	s3 =	sadd.s32 $0x88, s3;
	s6 =	simm.s32 @!p1 $0x1082;
	[sflag:s4] =	ssyncset.s32 $0xFFFFF086  }
0x25: {  	[simem:s6], [sflag:s4] =	dma.local [hbm:s3], $0xF7A  }
0x26: {  	[smem:$0x3F9B] =	sst s1;
	(tag) =	ssettag s2;
	_ =	strace s9  }
0x27: {  	s1 =	sld [smem:$0x3FAB]  }
0x28: {  	s2 =	sld [smem:$0x3FAC]  }
0x29: {  	s4 =	sld [smem:$0x3FAE]  }
0x2a: {  	p0 =	seq.s32 s5, $0x0;
	s5 =	sld [smem:$0x3FAF]  }
0x2b: {  	s6 =	sld [smem:$0x3FB0]  }
0x2c: {  	s7 =	sld [smem:$0x3FB1]  }
0x2d: {  	s3 =	simm.s32 $0x108;
	s8 =	sld [smem:$0x3FB2]  }
0x2e: {  	s3 =	simm.s32 @!p0 $0x1082;
	s9 =	sld [smem:$0x3FB3]  }
0x2f: {  	lr =	sadd.s32 s0, s3;
	s0 =	sld [smem:$0x3FAA]  }
0x30: {  	s3 =	sld [smem:$0x3FAD]  }
0x31: {  	[smem:$0x3FB6] =	sst s10  }
0x32: {  	s10 =	sld [smem:$0x3FB4];
	_ =	sdelay $0x3  }
0x33: {  	p0 =	seq.s32 s10, $0x1;
	s10 =	sld [smem:$0x3FB6];
	_ =	sdelay $0x3  }
0x34: {  	[smem:$0x3FB6] =	sst s10  }
0x35: {  	s10 =	sld [smem:$0x3FB5];
	_ =	sdelay $0x3  }
0x36: {  	p1 =	seq.s32 s10, $0x1;
	s10 =	sld [smem:$0x3FB6];
	_ =	sdelay $0x3  }
0x37: {  	[smem:$0x3FB6] =	sst s10  }
0x38: {  	s10 =	sld [smem:$0x3FB7]  }
0x39: {  	_ = 	snop;
	(pc) =	sbr.ind lr, $3  }
0x3a: {  	_ = 	snop  }
0x3b: {  	_ = 	snop  }
0x3c: {  	p2 =	seq.s32 s10, $0x1;
	s10 =	sld [smem:$0x3FB6]  }
0x3d: {  	_ =	shalt  }
0x3e: {  	_ =	shalt  }
0x3f: {  	_ =	shalt  }
0x40: {  	_ =	shalt  }
0x41: {  	_ =	shalt  }
0x42: {  	_ =	shalt  }
0x43: {  	_ =	shalt  }
0x44: {  	_ =	shalt  }
0x45: {  	_ =	shalt  }
0x46: {  	_ =	shalt  }
0x47: {  	_ =	shalt  }
0x48: {  	_ =	shalt  }
0x49: {  	_ =	shalt  }
0x4a: {  	_ =	shalt  }
0x4b: {  	_ =	shalt  }
0x4c: {  	_ =	shalt  }
0x4d: {  	_ =	shalt  }
0x4e: {  	_ =	shalt  }
0x4f: {  	_ =	shalt  }
0x50: {  	_ =	shalt  }
0x51: {  	_ =	shalt  }
0x52: {  	_ =	shalt  }
0x53: {  	_ =	shalt  }
0x54: {  	_ =	shalt  }
0x55: {  	_ =	shalt  }
0x56: {  	_ =	shalt  }
0x57: {  	_ =	shalt  }
0x58: {  	_ =	shalt  }
0x59: {  	_ =	shalt  }
0x5a: {  	_ =	shalt  }
0x5b: {  	_ =	shalt  }
0x5c: {  	_ =	shalt  }
0x5d: {  	_ =	shalt  }
0x5e: {  	_ =	shalt  }
0x5f: {  	_ =	shalt  }
0x60: {  	_ =	shalt  }
0x61: {  	_ =	shalt  }
0x62: {  	_ =	shalt  }
0x63: {  	_ =	shalt  }
0x64: {  	_ =	shalt  }
0x65: {  	_ =	shalt  }
0x66: {  	_ =	shalt  }
0x67: {  	_ =	shalt  }
0x68: {  	_ =	shalt  }
0x69: {  	_ =	shalt  }
0x6a: {  	_ =	shalt  }
0x6b: {  	_ =	shalt  }
0x6c: {  	_ =	shalt  }
0x6d: {  	_ =	shalt  }
0x6e: {  	_ =	shalt  }
0x6f: {  	_ =	shalt  }
0x70: {  	_ =	shalt  }
0x71: {  	_ =	shalt  }
0x72: {  	_ =	shalt  }
0x73: {  	_ =	shalt  }
0x74: {  	_ =	shalt  }
0x75: {  	_ =	shalt  }
0x76: {  	_ =	shalt  }
0x77: {  	_ =	shalt  }
0x78: {  	_ =	shalt  }
0x79: {  	_ =	shalt  }
0x7a: {  	_ =	shalt  }
0x7b: {  	_ =	shalt  }
0x7c: {  	_ =	shalt  }
0x7d: {  	_ =	shalt  }
0x7e: {  	_ =	shalt  }
0x7f: {  	_ =	shalt  }
0x80: {  	_ =	shalt  }
0x81: {  	_ =	shalt  }
0x82: {  	_ =	shalt  }
0x83: {  	_ =	shalt  }
0x84: {  	_ =	shalt  }
0x85: {  	_ =	shalt  }
0x86: {  	_ =	shalt  }
0x87: {  	_ =	shalt  }
.Lfunc_end0:
.L_simem_size_0:
called_computation_lowered:
.L_overlay_start_0:
0x88: {  	s2 =	sld [smem:$0x3FD9]  }
0x89: {  	s3 =	sld [smem:$0x3FFE];
	_ =	sdelay $0x1  }
0x8a: {  	s1 =	srdreg.scid  }
0x8b: {  	s0 =	sand.u32 $0x1, s1  }
0x8c: {  	s17 =	sshll.u32 s0, $0xA;
	s2 =	sadd.s32 s3, s2  }
0x8d: {  	s2 =	sadd.s32 s2, s17  }
0x8e: {  	[smem:$0x3FC2] =	sst s2  }
0x8f: {  	_ = 	snop  }
0x90: {  	s2 =	sld [smem:$0x3FC8];
	(tm) =	ssettm $0x1  }
0x91: {  	s18 =	sld [smem:$0x3FFB];
	_ =	sdelay $0x3  }
0x92: {  	_ =	strace s18  }
0x93: {  	s3 =	sld [smem:$0x3FFC];
	_ =	sdelay $0x3  }
0x94: {  	_ =	strace s3  }
0x95: {  	s3 =	sld [smem:$0x3FFD];
	_ =	sdelay $0x3  }
0x96: {  	_ =	strace s3  }
0x97: {  	_ =	strace $0x8FFFFFFF  }
0x98: {  	s19 =	sld [smem:$0x3FDB];
	_ =	sdelay $0x1  }
0x99: {  	s4 =	simm.s32 $_scs_section_size  }
0x9a: {  	s5 =	simm.s32 $_size__tile_overlayer_lowered;
	s6 =	simm.s32 $_tile_overlayer_lowered  }
0x9b: {  	s22 =	simm.s32 $0x1BFF;
	s21 =	sshll.u32 s6, $0x1;
	s3 =	sadd.s32 s4, s19  }
0x9c: {  	s7 =	simm.s32 $0x0;
	s20 =	sshll.u32 s5, $0x1;
	s5 =	sadd.s32 s21, s3  }
0x9d: {  	[timem:s7], [sflag:s22] =	dma.local [hbm:s5], s20  }
0x9e: {  	_ =	swait.ge [sflag:s22], s20  }
0x9f: {  	s4 =	ssub.s32 $0x0, s20;
	[sflag:s22] =	ssyncset.done $0x0  }
0xa0: {  	[sflag:s22] =	ssyncadd.s32 s4;
	_ =	sdelay $0x1  }
0xa1: {  	s23 =	simm.s32 $0x1B8B  }
0xa2: {  	_ =	swait.ge [sflag:s23], $0x1  }
0xa3: {  	[sflag:s23] =	ssyncset.done $0x0  }
0xa4: {  	s25 =	simm.s32 $0x1B8E;
	s24 =	sld [smem:$0x3FFE];
	[sflag:s23] =	ssyncadd.s32 $0xFFFFFFFF  }
0xa5: {  	s26 =	simm.s32 $execute0_lowered;
	[smem:$0x3FD2] =	sst s25  }
0xa6: {  	s5 =	sshll.u32 s26, $0x1;
	_ =	strace $0x80000046;
	[dreg:$0x1] =	wrdreg $0xFFFFFFFF  }
0xa7: {  	s28 =	simm.s32 $_size_execute0_lowered;
	s3 =	sadd.s32 s3, s5;
	[dreg:$0x0] =	wrdreg $0x0  }
0xa8: {  	s5 =	sshll.u32 s28, $0x1;
	[dreg:$0x2] =	wrdreg s3  }
0xa9: {  	[dreg:$0x3] =	wrdreg s5  }
0xaa: {  	[dreg:$0x4] =	wrdreg $0xC0  }
0xab: {  	_ =	task [dreg:s7], $0x5FFFF  }
0xac: {  	[dreg:$0x1] =	wrdreg $0xFFFFFFFF  }
0xad: {  	[dreg:$0x0] =	wrdreg $0x60  }
0xae: {  	[dreg:$0x2] =	wrdreg s24  }
0xaf: {  	[dreg:$0x3] =	wrdreg s2  }
0xb0: {  	[dreg:$0x4] =	wrdreg $0x9  }
0xb1: {  	_ =	task.clear_ibuf [dreg:s7], $0x5FFFF;
	_ =	strace $0x90000046  }
0xb2: {  	s29 =	simm.s32 $0x9;
	_ =	strace $0x80000048  }
0xb3: {  	_ =	swait.ge [sflag:s29], $0x1  }
0xb4: {  	[sflag:s29] =	ssyncadd.s32 $0xFFFFFFFF  }
0xb5: {  	_ =	strace $0x90000048  }
0xb6: {  	_ =	sfence  }
0xb7: {  	s30 =	sld [smem:$0x0];
	_ =	sdelay $0x2  }
0xb8: {  	s31 =	sshll.u32 s1, $0xD;
	s1 =	sshrl.u32 s1, $0x2  }
0xb9: {  	s3 =	sand.u32 $0x4000, s31;
	s1 =	sadd.s32 s1, s30  }
0xba: {  	s0 =	sor.u32 s3, s0;
	s1 =	sshll.u32 s1, $0x11  }
0xbb: {  	s0 =	sor.u32 s1, s0  }
0xbc: {  	s0 =	sadd.s32 $0x8F2B, s0  }
0xbd: {  	[sflag:s0] =	ssyncadd.remote.s32 $0x1  }
0xbe: {  	_ =	sfence.sel $0xFFFF  }
0xbf: {  	[dreg:$0x0] =	wrdreg $0xFFFFFFFF;
	(pc) =	sbr.abs _section_cstart, $3  }
0xc0: {  	[dreg:$0x1] =	wrdreg $0xFFFFFFFF  }
0xc1: {  	_ =	task.clear_ibuf [dreg:s7], $0x2FFFF;
	_ =	strace $0x9FFFFFFF  }
0xc2: {  	(tm) =	ssettm $0x7FFFFFFF  }
0xc3: {  	_ =	shalt  }
tec
execute0_lowered:
.L_overlay_start_1:
0x0: {  	(tag) =	ssettag $0x1  }
0x1: {  	s5 =	rddreg [dreg:$0x0];
	v0 =	vimm.s32 $0xFEDCBA98;
	v1 =	vimm.s32 $0x76543210;
	v2 =	vimm.s32 $0x3210FEDC  }
0x2: {  	s1 =	rddreg [dreg:$0x1];
	v3 =	vimm.s32 $0xBA987654;
	v4 =	vimm.s32 $0x10FEDCBA;
	v5 =	vimm.s32 $0x98765432  }
0x3: {  	s0 =	rddreg [dreg:$0x2];
	v6 =	vimm.s32 $0xFEDCBA9;
	v7 =	vimm.s32 $0x87654321;
	v0 =	vunpack.c.l.s4.s8 v0  }
0x4: {  	s4 =	srdreg.scid;
	s2 =	stileid.u32;
	s3 =	simm.s32 $0x0;
	v1 =	vunpack.c.l.s4.s8 v1;
	v2 =	vunpack.c.l.s4.s8 v2;
	v3 =	vunpack.c.l.s4.s8 v3  }
0x5: {  	s12 =	simm.s32 $0x200;
	s13 =	simm.s32 $0x8200;
	s14 =	simm.s32 $0x1;
	v4 =	vunpack.c.l.s4.s8 v4;
	v5 =	vunpack.c.l.s4.s8 v5;
	v6 =	vunpack.c.l.s4.s8 v6  }
0x6: {  	s15 =	simm.s32 $0x2;
	s6 =	sand.u32 $0x1, s4;
	s31 =	sshll.u32 s2, $0x1;
	v7 =	vunpack.c.l.s4.s8 v7;
	v2 =	vunpack.c.0.s8.s32 v2;
	v3 =	vunpack.c.0.s8.s32 v3  }
0x7: {  	s16 =	simm.s32 $0x10200;
	s17 =	simm.s32 $0x0;
	s7 =	sor.u32 s6, s31;
	v0 =	vunpack.c.0.s8.s32 v0;
	v4 =	vunpack.c.0.s8.s32 v4;
	v5 =	vunpack.c.0.s8.s32 v5  }
0x8: {  	[smem:$0x7FF] =	sst s3;
	s4 =	sadd.s32 $0xC00, s5;
	s8 =	smul.u32 $0x6000, s7;
	v6 =	vunpack.c.0.s8.s32 v6;
	v7 =	vunpack.c.0.s8.s32 v7;
	v8 =	vcombine.low v3, v2  }
.Ltmp0:
0x9: {  	_ =	strace $0x80000047;
	s6 =	ssub.s32 $0x2, s6;
	v1 =	vunpack.c.0.s8.s32 v1;
	v9 =	vcombine.low v5, v4;
	(pc) =	sbr.rel .LBB2_1-.Ltmp0, $4  }
0xa: {  	s9 =	smul.u32 $0x30000, s7;
	s7 =	sshll.u32 s7, $0x4;
	s10 =	sshrl.u32 s6, $0x1;
	v0 =	vand.u32 $0xF, v0;
	v10 =	vcombine.low v7, v6;
	[tilespmem:$0x1FFD0] =	vst v8  }
0xb: {  	s11 =	sadd.s32 s7, s5;
	s10 =	ssub.s32 s6, s10;
	s5 =	sadd.s32 s1, s8;
	v21 =	vcombine.low v0, v1;
	[tilespmem:$0x1FFE0] =	vst v9  }
0xc: {  	s7 =	sadd.s32 $0x10000, s9;
	s8 =	sadd.s32 $0x18000, s9;
	s9 =	sadd.s32 $0xE00, s11;
	[tilespmem:$0x1FFF0] =	vst v10  }
0xd: {  	s10 =	smax.u32 s10, $0x1;
	s11 =	simm.s32 $0x3;
	s6 =	sadd.s32 $0x1000, s5;
	[tilespmem:$0x1FFC0] =	vst v21  }
.LBB2_8:
0xe: {  	s17 =	sadd.s32 $0x1, s17  }
0xf: {  	p0 =	sne.s32 s17, s10  }
.Ltmp1:
0x10: {  	[tilespmem:$0x10200] =	vst v36;
	(pc) =	sbr.rel @!p0 .LBB2_9-.Ltmp1, $4  }
0x11: {  	[hbm4b:s9+s3] =	stream.linear.scatter [tilespmem:s16], [sflag:$0x3], $0x80, $0x38;
	[tilespmem:$0x10280] =	vst v63  }
0x12: {  	_ =	swait.ge [sflag:s11], $0x80  }
0x13: {  	[sflag:s11] =	ssyncset.done $0x0  }
0x14: {  	[sflag:s11] =	ssyncadd.s32 $0xFFFFFF80  }
.LBB2_1:
0x15: {  	[tilespmem:s3], [sflag:$0x3] =	stream.linear.gather [hbm4b:s4+s3], $0x200, $0x38;
	[tilespmem:$0x10280] =	vst v63  }
0x16: {  	_ =	swait.ge [sflag:s11], $0x200  }
0x17: {  	[sflag:s11] =	ssyncset.done $0x0  }
0x18: {  	[sflag:s11] =	ssyncadd.s32 $0xFFFFFE00  }
0x19: {  	v23 =	vld [tilespmem:$0x0]  }
0x1a: {  	v1 =	vld [tilespmem:$0x10]  }
0x1b: {  	v33 =	vld [tilespmem:$0x20]  }
0x1c: {  	v3 =	vld [tilespmem:$0x30]  }
0x1d: {  	v32 =	vld [tilespmem:$0x40]  }
0x1e: {  	v7 =	vld [tilespmem:$0x50]  }
0x1f: {  	v9 =	vld [tilespmem:$0x60]  }
0x20: {  	v10 =	vld [tilespmem:$0x70]  }
0x21: {  	v11 =	vld [tilespmem:$0x80]  }
0x22: {  	v14 =	vld [tilespmem:$0x180]  }
0x23: {  	v12 =	vld [tilespmem:$0x90]  }
0x24: {  	v18 =	vld [tilespmem:$0xD0]  }
0x25: {  	v8 =	vld [tilespmem:$0xF0]  }
0x26: {  	v19 =	vld [tilespmem:$0xA0]  }
0x27: {  	[tilespmem:$0x1FE90] =	vst v14;
	v14 =	vld [tilespmem:$0x190]  }
0x28: {  	v24 =	vld [tilespmem:$0x150]  }
0x29: {  	v25 =	vld [tilespmem:$0x120];
	[tilespmem:$0x1FEE0] =	vst v18  }
0x2a: {  	v20 =	vld [tilespmem:$0xB0];
	[tilespmem:$0x1FEF0] =	vst v8  }
0x2b: {  	v22 =	vld [tilespmem:$0x100];
	[tilespmem:$0x1FF00] =	vst v9  }
0x2c: {  	[tilespmem:$0x1FEA0] =	vst v14;
	v14 =	vld [tilespmem:$0x1A0]  }
0x2d: {  	v21 =	vld [tilespmem:$0xE0];
	[tilespmem:$0x1FF10] =	vst v24  }
0x2e: {  	v0 =	vld [tilespmem:$0x110];
	[tilespmem:$0x1FF20] =	vst v25  }
0x2f: {  	v34 =	vld [tilespmem:$0x1E0];
	[tilespmem:$0x1FF30] =	vst v10  }
0x30: {  	v5 =	vld [tilespmem:$0xC0];
	[tilespmem:$0x1FF40] =	vst v22  }
0x31: {  	[tilespmem:$0x1FEB0] =	vst v14;
	v14 =	vld [tilespmem:$0x1C0]  }
0x32: {  	v35 =	vld [tilespmem:$0x1F0];
	[tilespmem:$0x1FF50] =	vst v21  }
0x33: {  	v17 =	vld [tilespmem:$0x140];
	[tilespmem:$0x1FF60] =	vst v0  }
0x34: {  	v6 =	vld [tilespmem:$0x160];
	[tilespmem:$0x1FF70] =	vst v34  }
0x35: {  	v13 =	vld [tilespmem:$0x130];
	[tilespmem:$0x1FF80] =	vst v7  }
0x36: {  	[tilespmem:$0x1FEC0] =	vst v14;
	v14 =	vld [tilespmem:$0x1D0]  }
0x37: {  	v27 =	vld [tilespmem:$0x170];
	[tilespmem:$0x1FF90] =	vst v35  }
0x38: {  	[tilespmem:$0x1FFA0] =	vst v17;
	v31 =	vld [tilespmem:$0x1B0];
	[tilespmem:s12], [sflag:$0x1] =	stream.linear.gather [hbm4b:s5+s3], $0x8000, $0x38  }
0x39: {  	[tilespmem:$0x1FFB0] =	vst v6  }
0x3a: {  	[tilespmem:s13], [sflag:$0x2] =	stream.linear.gather [hbm4b:s6+s3], $0x8000, $0x38;
	[tilespmem:$0x10280] =	vst v63  }
0x3b: {  	v36 =	vimm.f32 $+Inf;
	s18 =	simm.s32 $0x0;
	[tilespmem:$0x1FED0] =	vst v14  }
.LBB2_2:
0x3c: {  	_ =	swait.ge [sflag:s14], $0x8000  }
0x3d: {  	v28 =	vld [tilespmem:$0x1FED0]  }
0x3e: {  	s19 =	simm.s32 $0x0;
	v26 =	vld [tilespmem:$0x1FEC0]  }
0x3f: {  	[sflag:s14] =	ssyncset.done $0x0;
	s20 =	sand.u32 $0x7000, s19;
	s19 =	sand.u32 $0x380, s19;
	v16 =	vld [tilespmem:$0x1FEB0]  }
0x40: {  	v15 =	vld [tilespmem:$0x1FEA0];
	[sflag:s14] =	ssyncadd.s32 $0xFFFF8000;
	s19 =	sor.u32 s19, s20  }
0x41: {  	v37 =	vld [tilespmem:s19+$0xE50]  }
0x42: {  	v38 =	vld [tilespmem:s19+$0xE40]  }
0x43: {  	v39 =	vld [tilespmem:s19+$0xE20]  }
0x44: {  	v40 =	vld [tilespmem:s19+$0xA50]  }
0x45: {  	v41 =	vld [tilespmem:s19+$0xA20]  }
0x46: {  	v42 =	vld [tilespmem:s19+$0xA00]  }
0x47: {  	v44 =	vld [tilespmem:s19+$0x660]  }
0x48: {  	v45 =	vld [tilespmem:s19+$0xA10]  }
0x49: {  	v46 =	vld [tilespmem:s19+$0x640]  }
0x4a: {  	v47 =	vld [tilespmem:s19+$0xA40]  }
0x4b: {  	v48 =	vld [tilespmem:s19+$0x620]  }
0x4c: {  	v49 =	vld [tilespmem:s19+$0x670]  }
0x4d: {  	v50 =	vld [tilespmem:s19+$0x200]  }
0x4e: {  	v51 =	vld [tilespmem:s19+$0x630]  }
0x4f: {  	v52 =	vld [tilespmem:s19+$0x230]  }
0x50: {  	v61 =	vld [tilespmem:s19+$0x600]  }
0x51: {  	v62 =	vld [tilespmem:s19+$0x240]  }
0x52: {  	v54 =	vld [tilespmem:s19+$0x270];
	v30 =	vsub.f32 v37, v28;
	v29 =	vsub.f32 v38, v26  }
0x53: {  	v55 =	vld [tilespmem:s19+$0x210];
	v38 =	vsub.f32 v42, v22;
	v42 =	vsub.f32 v44, v21  }
0x54: {  	v56 =	vld [tilespmem:s19+$0x220];
	v53 =	vsub.f32 v39, v16;
	v45 =	vsub.f32 v45, v0  }
0x55: {  	v57 =	vld [tilespmem:s19+$0x260];
	v46 =	vsub.f32 v46, v5;
	v40 =	vsub.f32 v40, v24  }
0x56: {  	v58 =	vld [tilespmem:s19+$0xE10];
	v48 =	vsub.f32 v48, v19;
	v51 =	vsub.f32 v51, v20  }
0x57: {  	v59 =	vld [tilespmem:s19+$0x610];
	v50 =	vsub.f32 v50, v23;
	v49 =	vsub.f32 v49, v8  }
0x58: {  	v60 =	vld [tilespmem:s19+$0xA30];
	v41 =	vsub.f32 v41, v25;
	v44 =	vsub.f32 v62, v32  }
0x59: {  	s30 =	simm.s32 $0x200;
	s21 =	simm.s32 $0x80;
	v54 =	vsub.f32 v54, v10;
	v52 =	vsub.f32 v52, v3  }
0x5a: {  	v14 =	vld [tilespmem:$0x1FE90];
	s21 =	sand.u32 $0x380, s21;
	s20 =	sand.u32 $0x7000, s30;
	v55 =	vsub.f32 v55, v1;
	v37 =	vsub.f32 v61, v11  }
0x5b: {  	s31 =	sor.u32 s21, s20;
	v56 =	vsub.f32 v56, v33;
	v57 =	vsub.f32 v57, v9;
	v61 =	vld [tilespmem:s19+$0x650]  }
0x5c: {  	v58 =	vsub.f32 v58, v15;
	v59 =	vsub.f32 v59, v12;
	v62 =	vld [tilespmem:s31+$0xE50]  }
0x5d: {  	v60 =	vsub.f32 v60, v13;
	v47 =	vsub.f32 v47, v17;
	v63 =	vand.u32 $0x7FFFFFFF, v54;
	v54 =	vld [tilespmem:s19+$0xE00]  }
0x5e: {  	v50 =	vand.u32 $0x7FFFFFFF, v50;
	v44 =	vand.u32 $0x7FFFFFFF, v44;
	v2 =	vand.u32 $0x7FFFFFFF, v51;
	v51 =	vld [tilespmem:s19+$0x250]  }
0x5f: {  	v52 =	vand.u32 $0x7FFFFFFF, v52;
	v56 =	vand.u32 $0x7FFFFFFF, v56;
	v39 =	vand.u32 $0x7FFFFFFF, v49;
	v49 =	vld [tilespmem:s19+$0xA60]  }
0x60: {  	v57 =	vand.u32 $0x7FFFFFFF, v57;
	v44 =	vadd.f32 v44, v50;
	v50 =	vadd.f32 v63, v52;
	v52 =	vld [tilespmem:s19+$0xA70]  }
0x61: {  	v46 =	vand.u32 $0x7FFFFFFF, v46;
	v37 =	vand.u32 $0x7FFFFFFF, v37;
	v43 =	vadd.f32 v57, v56;
	v56 =	vld [tilespmem:s19+$0xE30]  }
0x62: {  	v48 =	vand.u32 $0x7FFFFFFF, v48;
	v63 =	vld [tilespmem:s31+$0xE20];
	v37 =	vadd.f32 v37, v44;
	v44 =	vadd.f32 v2, v50  }
0x63: {  	v41 =	vand.u32 $0x7FFFFFFF, v41;
	v50 =	vld [tilespmem:s19+$0xE60];
	v48 =	vadd.f32 v48, v43;
	v61 =	vsub.f32 v61, v18  }
0x64: {  	v55 =	vand.u32 $0x7FFFFFFF, v55;
	v2 =	vld [tilespmem:s19+$0xE70];
	v37 =	vadd.f32 v46, v37;
	v44 =	vadd.f32 v39, v44  }
0x65: {  	v42 =	vand.u32 $0x7FFFFFFF, v42;
	v46 =	vsub.f32 v54, v14;
	v51 =	vsub.f32 v51, v7;
	v54 =	vld [tilespmem:s31+$0xE40]  }
0x66: {  	v38 =	vand.u32 $0x7FFFFFFF, v38;
	v49 =	vsub.f32 v49, v6;
	v42 =	vadd.f32 v42, v48;
	v39 =	vld [tilespmem:s31+$0xA50]  }
0x67: {  	v48 =	vand.u32 $0x7FFFFFFF, v59;
	v59 =	vadd.f32 v38, v37;
	v38 =	vsub.f32 v62, v28;
	v62 =	vld [tilespmem:s31+$0x660]  }
0x68: {  	v47 =	vand.u32 $0x7FFFFFFF, v47;
	v52 =	vsub.f32 v52, v27;
	v56 =	vsub.f32 v56, v31;
	v28 =	vld [tilespmem:s31+$0xA20]  }
0x69: {  	v51 =	vand.u32 $0x7FFFFFFF, v51;
	v57 =	vsub.f32 v2, v35;
	v2 =	vand.u32 $0x7FFFFFFF, v60;
	v60 =	vld [tilespmem:s31+$0xA00]  }
0x6a: {  	v41 =	vadd.f32 v41, v42;
	v49 =	vand.u32 $0x7FFFFFFF, v49;
	v51 =	vadd.f32 v51, v55;
	v55 =	vld [tilespmem:s31+$0x620]  }
0x6b: {  	v50 =	vsub.f32 v50, v34;
	v42 =	vadd.f32 v2, v44;
	v44 =	vand.u32 $0x7FFFFFFF, v52;
	v52 =	vld [tilespmem:s31+$0xA10]  }
0x6c: {  	v53 =	vand.u32 $0x7FFFFFFF, v53;
	v49 =	vadd.f32 v49, v41;
	v2 =	vld [tilespmem:s31+$0x640];
	v47 =	vadd.f32 v47, v59  }
0x6d: {  	v61 =	vand.u32 $0x7FFFFFFF, v61;
	v59 =	vld [tilespmem:s31+$0x670];
	v41 =	vsub.f32 v63, v16;
	v37 =	vsub.f32 v54, v26  }
0x6e: {  	v63 =	vand.u32 $0x7FFFFFFF, v56;
	v56 =	vld [tilespmem:s31+$0x630];
	v48 =	vadd.f32 v48, v51;
	v39 =	vsub.f32 v39, v24  }
0x6f: {  	v43 =	vand.u32 $0x7FFFFFFF, v46;
	v44 =	vadd.f32 v44, v42;
	v49 =	vadd.f32 v53, v49;
	v53 =	vld [tilespmem:s31+$0x200]  }
0x70: {  	v50 =	vand.u32 $0x7FFFFFFF, v50;
	v47 =	vadd.f32 v43, v47;
	v43 =	vld [tilespmem:s31+$0xA40];
	v26 =	vsub.f32 v62, v21  }
0x71: {  	v48 =	vadd.f32 v61, v48;
	v49 =	vadd.f32 v50, v49;
	v50 =	vand.u32 $0x7FFFFFFF, v58;
	v58 =	vld [tilespmem:s31+$0x270]  }
0x72: {  	v46 =	vsub.f32 v28, v25;
	v44 =	vadd.f32 v63, v44;
	v63 =	vand.u32 $0x7FFFFFFF, v29;
	v29 =	vld [tilespmem:$0x1FFE0]  }
0x73: {  	v45 =	vand.u32 $0x7FFFFFFF, v45;
	v42 =	vsub.f32 v60, v22;
	v51 =	vsub.f32 v52, v0;
	v52 =	vld [tilespmem:s31+$0x600]  }
0x74: {  	v16 =	vand.u32 $0x7FFFFFFF, v30;
	v55 =	vsub.f32 v55, v19;
	v54 =	vsub.f32 v2, v5;
	v2 =	vld [tilespmem:s31+$0x240]  }
0x75: {  	v57 =	vand.u32 $0x7FFFFFFF, v57;
	v45 =	vadd.f32 v45, v48;
	v30 =	vsub.f32 v59, v8;
	v59 =	vld [tilespmem:s31+$0x220]  }
0x76: {  	v40 =	vand.u32 $0x7FFFFFFF, v40;
	v56 =	vsub.f32 v56, v20;
	v48 =	vld [tilespmem:s31+$0x260];
	v44 =	vadd.f32 v57, v44  }
0x77: {  	v57 =	vld [tilespmem:s31+$0x230];
	v45 =	vadd.f32 v40, v45;
	v53 =	vsub.f32 v53, v23  }
0x78: {  	v40 =	vand.u32 $0x7FFFFFFF, v51;
	v51 =	vld [tilespmem:s31+$0x210];
	v8 =	vadd.f32 v44, v49;
	v61 =	vsub.f32 v58, v10  }
0x79: {  	v25 =	vand.u32 $0x7FFFFFFF, v54;
	v54 =	vld [tilespmem:s31+$0xA70];
	v50 =	vadd.f32 v50, v45;
	v58 =	vadd.f32 v63, v47  }
0x7a: {  	v49 =	vand.u32 $0x7FFFFFFF, v55;
	v55 =	vld [tilespmem:s31+$0xA30];
	v2 =	vsub.f32 v2, v32;
	v52 =	vsub.f32 v52, v11  }
0x7b: {  	v39 =	vand.u32 $0x7FFFFFFF, v39;
	v45 =	vld [tilespmem:s31+$0xE70];
	v59 =	vsub.f32 v59, v33;
	v48 =	vsub.f32 v48, v9  }
0x7c: {  	v60 =	vand.u32 $0x7FFFFFFF, v53;
	v53 =	vld [tilespmem:s31+$0xE10];
	v57 =	vsub.f32 v57, v3;
	v50 =	vadd.f32 v16, v50  }
0x7d: {  	v16 =	vld [tilespmem:$0x1FFF0];
	v51 =	vsub.f32 v51, v1;
	v62 =	vand.u32 $0x7FFFFFFF, v2;
	v2 =	vand.u32 $0x7FFFFFFF, v61  }
0x7e: {  	v52 =	vand.u32 $0x7FFFFFFF, v52;
	v61 =	vld [tilespmem:s31+$0xE00];
	v48 =	vand.u32 $0x7FFFFFFF, v48;
	v44 =	vadd.f32 v62, v60  }
0x7f: {  	v60 =	vld [tilespmem:s31+$0x610];
	v57 =	vand.u32 $0x7FFFFFFF, v57;
	v62 =	vand.u32 $0x7FFFFFFF, v59;
	v63 =	vadd.f32 v50, v58  }
0x80: {  	v59 =	vld [tilespmem:s31+$0xE60];
	v47 =	vand.u32 $0x7FFFFFFF, v51;
	v51 =	vadd.f32 v2, v57;
	v62 =	vadd.f32 v48, v62  }
0x81: {  	v2 =	vand.u32 $0x7FFFFFFF, v56;
	v56 =	vld [tilespmem:s31+$0x250];
	v52 =	vadd.f32 v52, v44;
	v44 =	vsub.f32 v53, v15  }
0x82: {  	v28 =	vmovc v3;
	v57 =	vld [tilespmem:s31+$0x650];
	v48 =	vadd.f32 v8, v63;
	v51 =	vadd.f32 v2, v51;
	v2 =	vand.u32 $0x7FFFFFFF, v30  }
0x83: {  	v46 =	vand.u32 $0x7FFFFFFF, v46;
	v15 =	vmovc v22;
	v22 =	vmovc v0;
	v30 =	vld [tilespmem:$0x1FFC0];
	v53 =	vadd.f32 v25, v52;
	v52 =	vsub.f32 v55, v13  }
0x84: {  	v8 =	vld [tilespmem:$0x1FFD0];
	v55 =	vand.u32 $0x7FFFFFFF, v26;
	v58 =	vsub.f32 v61, v14;
	v25 =	vmovc v1;
	v26 =	vmovc v19;
	v50 =	vsub.f32 v60, v12  }
0x85: {  	v61 =	vld [tilespmem:s31+$0xE30];
	v19 =	vmovc v6;
	v14 =	vmovc v20;
	v20 =	vmov v24;
	v51 =	vadd.f32 v2, v51;
	v2 =	vmov v11  }
0x86: {  	s22 =	simm.s32 $0x400;
	s19 =	simm.s32 $0x100;
	v24 =	vmovc v5;
	v60 =	vld [tilespmem:s31+$0xA60];
	v11 =	vmovc v23;
	v23 =	vmov v13;
	v50 =	vand.u32 $0x7FFFFFFF, v50;
	v13 =	vmov v2  }
.LBB2_3:
0x87: {  	v2 =	vld [tilespmem:$0x1FED0];
	v49 =	vadd.f32 v49, v62  }
0x88: {  	v42 =	vand.u32 $0x7FFFFFFF, v42;
	v3 =	vld [tilespmem:$0x1FEC0];
	v63 =	vperm.xlane v48, v30  }
0x89: {  	s21 =	sand.u32 $0x7000, s22;
	s23 =	sand.u32 $0x380, s19;
	v4 =	vld [tilespmem:$0x1FF20];
	v42 =	vadd.f32 v42, v53;
	v49 =	vadd.f32 v55, v49  }
0x8a: {  	v1 =	vand.u32 $0x7FFFFFFF, v41;
	v5 =	vld [tilespmem:$0x1FEA0];
	s21 =	sor.u32 s23, s21;
	v41 =	vadd.f32 v48, v63;
	v56 =	vsub.f32 v56, v7  }
0x8b: {  	v0 =	vld [tilespmem:s21+$0xE50];
	v54 =	vsub.f32 v54, v27;
	v43 =	vsub.f32 v43, v17  }
0x8c: {  	v62 =	vld [tilespmem:s21+$0xE40];
	v59 =	vsub.f32 v59, v34;
	v60 =	vsub.f32 v60, v19  }
0x8d: {  	v53 =	vand.u32 $0x7FFFFFFF, v58;
	v58 =	vld [tilespmem:s21+$0xE20];
	v57 =	vsub.f32 v57, v18;
	v55 =	vsub.f32 v61, v31  }
0x8e: {  	v48 =	vld [tilespmem:s21+$0xA20];
	v45 =	vsub.f32 v45, v35;
	v46 =	vadd.f32 v46, v49  }
0x8f: {  	v61 =	vld [tilespmem:s21+$0xA50];
	v49 =	vand.u32 $0x7FFFFFFF, v52;
	v63 =	vperm.xlane v41, v8;
	v52 =	vand.u32 $0x7FFFFFFF, v60  }
0x90: {  	v60 =	vld [tilespmem:s21+$0xA00];
	v56 =	vand.u32 $0x7FFFFFFF, v56;
	v49 =	vadd.f32 v49, v51;
	v0 =	vsub.f32 v0, v2  }
0x91: {  	v51 =	vand.u32 $0x7FFFFFFF, v54;
	v54 =	vld [tilespmem:s21+$0xA10];
	v62 =	vsub.f32 v62, v3;
	v47 =	vadd.f32 v56, v47  }
0x92: {  	v2 =	vld [tilespmem:s21+$0x660];
	v56 =	vand.u32 $0x7FFFFFFF, v59;
	v41 =	vadd.f32 v41, v63;
	v3 =	vand.u32 $0x7FFFFFFF, v43  }
0x93: {  	v59 =	vld [tilespmem:s21+$0x640];
	v46 =	vadd.f32 v52, v46;
	v49 =	vadd.f32 v51, v49;
	v51 =	vand.u32 $0x7FFFFFFF, v57  }
0x94: {  	v43 =	vld [tilespmem:s21+$0xA40];
	v52 =	vadd.f32 v3, v42;
	v57 =	vperm.xlane v41, v29;
	v47 =	vadd.f32 v50, v47  }
0x95: {  	v63 =	vld [tilespmem:s21+$0x620];
	v48 =	vsub.f32 v48, v4;
	v1 =	vadd.f32 v1, v46  }
0x96: {  	v57 =	vadd.f32 v41, v57;
	v41 =	vld [tilespmem:$0x1FEB0];
	v47 =	vadd.f32 v51, v47  }
0x97: {  	v50 =	vld [tilespmem:s21+$0x670];
	v52 =	vadd.f32 v53, v52;
	v54 =	vsub.f32 v54, v22  }
0x98: {  	v42 =	vsub.f32 v60, v15;
	v60 =	vand.u32 $0x7FFFFFFF, v38;
	v38 =	vmovc v0;
	v0 =	vld [tilespmem:s21+$0x200];
	v47 =	vadd.f32 v40, v47  }
0x99: {  	v51 =	vld [tilespmem:s21+$0x230];
	v1 =	vadd.f32 v56, v1;
	v40 =	vand.u32 $0x7FFFFFFF, v54;
	v54 =	vsub.f32 v61, v20  }
0x9a: {  	v56 =	vld [tilespmem:s21+$0x270];
	v2 =	vsub.f32 v2, v21;
	v3 =	vperm.xlane v57, v16;
	v47 =	vadd.f32 v39, v47  }
0x9b: {  	v39 =	vand.u32 $0x7FFFFFFF, v54;
	v54 =	vld [tilespmem:s21+$0x220];
	v41 =	vsub.f32 v58, v41;
	v58 =	vand.u32 $0x7FFFFFFF, v55  }
0x9c: {  	v44 =	vand.u32 $0x7FFFFFFF, v44;
	v55 =	vld [tilespmem:s21+$0x630];
	v46 =	vadd.f32 v58, v49;
	v49 =	vadd.f32 v57, v3  }
0x9d: {  	v59 =	vsub.f32 v59, v24;
	v61 =	vsub.f32 v63, v26;
	v63 =	vand.u32 $0x7FFFFFFF, v37;
	v57 =	vld [tilespmem:s21+$0x240]  }
0x9e: {  	v52 =	vadd.f32 v63, v52;
	v0 =	vsub.f32 v0, v11;
	v36 =	vmin.f32 v36, v49;
	v49 =	vld [tilespmem:s21+$0x210]  }
0x9f: {  	v45 =	vand.u32 $0x7FFFFFFF, v45;
	v37 =	vmovc v62;
	v62 =	vld [tilespmem:s21+$0x260];
	v56 =	vsub.f32 v56, v10;
	v44 =	vadd.f32 v44, v47  }
0xa0: {  	v51 =	vsub.f32 v51, v28;
	v46 =	vadd.f32 v45, v46;
	v45 =	vld [tilespmem:$0x1FEF0]  }
0xa1: {  	v58 =	vld [tilespmem:s21+$0x600];
	v3 =	vand.u32 $0x7FFFFFFF, v59;
	v60 =	vadd.f32 v60, v44;
	v54 =	vsub.f32 v54, v33  }
0xa2: {  	v0 =	vand.u32 $0x7FFFFFFF, v0;
	v55 =	vsub.f32 v55, v14;
	v53 =	vsub.f32 v57, v32;
	v57 =	vld [tilespmem:s21+$0xE10]  }
0xa3: {  	v1 =	vadd.f32 v46, v1;
	v47 =	vsub.f32 v49, v25;
	v49 =	vand.u32 $0x7FFFFFFF, v61;
	v61 =	vld [tilespmem:s21+$0xA30]  }
0xa4: {  	v63 =	vld [tilespmem:s21+$0xE00];
	v46 =	vand.u32 $0x7FFFFFFF, v48;
	v48 =	vand.u32 $0x7FFFFFFF, v56;
	v56 =	vand.u32 $0x7FFFFFFF, v51  }
0xa5: {  	v48 =	vadd.f32 v48, v56;
	v56 =	vld [tilespmem:s21+$0x250];
	v50 =	vsub.f32 v50, v45;
	v59 =	vand.u32 $0x7FFFFFFF, v53  }
0xa6: {  	v53 =	vsub.f32 v58, v13;
	v58 =	vld [tilespmem:s21+$0x610];
	v0 =	vadd.f32 v59, v0  }
0xa7: {  	v45 =	vld [tilespmem:s21+$0xE70];
	v59 =	vsub.f32 v62, v9;
	v44 =	vsub.f32 v57, v5  }
0xa8: {  	p0 =	sne.s32 s22, $0x7E00;
	v51 =	vand.u32 $0x7FFFFFFF, v55;
	v5 =	vadd.f32 v60, v52;
	v52 =	vsub.f32 v61, v23;
	v61 =	vld [tilespmem:$0x1FE90]  }
.Ltmp2:
0xa9: {  	v48 =	vadd.f32 v51, v48;
	v62 =	vand.u32 $0x7FFFFFFF, v54;
	v54 =	vld [tilespmem:s21+$0xA70];
	v53 =	vand.u32 $0x7FFFFFFF, v53;
	(pc) =	sbr.rel @p0 .LBB2_3-.Ltmp2, $4  }
0xaa: {  	v50 =	vand.u32 $0x7FFFFFFF, v50;
	v0 =	vadd.f32 v53, v0;
	v4 =	vand.u32 $0x7FFFFFFF, v59;
	v59 =	vld [tilespmem:s21+$0xE60]  }
0xab: {  	s20 =	smov.u32 s22;
	v55 =	vand.u32 $0x7FFFFFFF, v2;
	v60 =	vld [tilespmem:s21+$0xA60];
	v51 =	vadd.f32 v50, v48;
	v6 =	vsub.f32 v58, v12  }
0xac: {  	s20 =	sadd.s32 $0x200, s22;
	v47 =	vand.u32 $0x7FFFFFFF, v47;
	v57 =	vld [tilespmem:s21+$0x650];
	v62 =	vadd.f32 v4, v62;
	v53 =	vadd.f32 v3, v0  }
0xad: {  	s19 =	sadd.s32 $0x80, s19;
	s22 =	smov.u32 s20;
	v48 =	vadd.f32 v1, v5;
	v50 =	vand.u32 $0x7FFFFFFF, v6;
	v58 =	vsub.f32 v63, v61;
	v61 =	vld [tilespmem:s21+$0xE30]  }
0xae: {  	s19 =	sshll.u32 s18, $0x10;
	p0 =	seq.s32 s18, $0x2  }
0xaf: {  	s20 =	sadd.s32 @!p0 s19, s7  }
0xb0: {  	v0 =	vsub.f32 v56, v7;
	s20 =	sshrl.u32 @!p0 s20, $0x3  }
0xb1: {  	v1 =	vsub.f32 v54, v27;
	v4 =	vadd.f32 v49, v62;
	s21 =	simm.s32 @!p0 $0x0;
	s22 =	simm.s32 @!p0 $0x200;
	s20 =	sadd.s32 @!p0 s1, s20  }
0xb2: {  	v3 =	vsub.f32 v59, v34;
	v5 =	vsub.f32 v60, v19;
	v0 =	vand.u32 $0x7FFFFFFF, v0;
	[tilespmem:s22], [sflag:$0x1] =	stream.linear.gather @!p0 [hbm4b:s20+s21], $0x8000, $0x38;
	[tilespmem:$0x10280] =	vst v63  }
0xb3: {  	v34 =	vand.u32 $0x7FFFFFFF, v52;
	v4 =	vadd.f32 v55, v4;
	v0 =	vadd.f32 v0, v47;
	_ =	swait.ge [sflag:s15], $0x8000  }
0xb4: {  	v45 =	vsub.f32 v45, v35;
	v60 =	vmov v35;
	v35 =	vadd.f32 v34, v51;
	v34 =	vld [tilespmem:$0x1FED0]  }
0xb5: {  	s26 =	simm.s32 $0x0;
	v49 =	vsub.f32 v57, v18;
	v55 =	vsub.f32 v61, v31;
	v61 =	vld [tilespmem:$0x1FEC0]  }
0xb6: {  	s28 =	sand.u32 $0x7000, s26;
	v4 =	vadd.f32 v46, v4;
	s20 =	sand.u32 $0x380, s26;
	v0 =	vadd.f32 v50, v0;
	[sflag:s15] =	ssyncset.done $0x0;
	v63 =	vld [tilespmem:$0x1FEB0]  }
0xb7: {  	v6 =	vand.u32 $0x7FFFFFFF, v42;
	v57 =	vmovc v31;
	v5 =	vand.u32 $0x7FFFFFFF, v5;
	v42 =	vand.u32 $0x7FFFFFFF, v49;
	s20 =	sor.u32 s20, s28;
	v31 =	vld [tilespmem:$0x1FE90];
	[sflag:s15] =	ssyncadd.s32 $0xFFFF8000  }
0xb8: {  	v4 =	vadd.f32 v5, v4;
	v5 =	vand.u32 $0x7FFFFFFF, v38;
	v0 =	vadd.f32 v42, v0;
	v38 =	vld [tilespmem:s20+$0x8A20]  }
0xb9: {  	v2 =	vsub.f32 v43, v17;
	v41 =	vand.u32 $0x7FFFFFFF, v41;
	v6 =	vadd.f32 v6, v53;
	v50 =	vld [tilespmem:s20+$0x8660]  }
0xba: {  	v54 =	vand.u32 $0x7FFFFFFF, v58;
	v1 =	vand.u32 $0x7FFFFFFF, v1;
	v58 =	vld [tilespmem:s20+$0x8640];
	v0 =	vadd.f32 v40, v0  }
0xbb: {  	v2 =	vand.u32 $0x7FFFFFFF, v2;
	v3 =	vand.u32 $0x7FFFFFFF, v3;
	v1 =	vadd.f32 v1, v35;
	v43 =	vld [tilespmem:s20+$0x8A40]  }
0xbc: {  	v2 =	vadd.f32 v2, v6;
	v6 =	vand.u32 $0x7FFFFFFF, v55;
	v59 =	vld [tilespmem:s20+$0x8620];
	v0 =	vadd.f32 v39, v0  }
0xbd: {  	v4 =	vadd.f32 v41, v4;
	v1 =	vadd.f32 v6, v1;
	v6 =	vand.u32 $0x7FFFFFFF, v44;
	v52 =	vld [tilespmem:s20+$0x8200]  }
0xbe: {  	v2 =	vadd.f32 v54, v2;
	v45 =	vand.u32 $0x7FFFFFFF, v45;
	v53 =	vld [tilespmem:s20+$0x8630];
	v0 =	vadd.f32 v6, v0  }
0xbf: {  	v35 =	vld [tilespmem:s20+$0x8210];
	v3 =	vadd.f32 v3, v4;
	v1 =	vadd.f32 v45, v1;
	v4 =	vand.u32 $0x7FFFFFFF, v37  }
0xc0: {  	v40 =	vld [tilespmem:s20+$0x8A10];
	v2 =	vadd.f32 v4, v2;
	v0 =	vadd.f32 v5, v0  }
0xc1: {  	v45 =	vld [tilespmem:s20+$0x8670]  }
0xc2: {  	v4 =	vld [tilespmem:s20+$0x8E40];
	v1 =	vadd.f32 v1, v3;
	v0 =	vadd.f32 v0, v2  }
0xc3: {  	v3 =	vld [tilespmem:s20+$0x8E50]  }
0xc4: {  	v46 =	vperm.xlane v48, v30;
	v6 =	vld [tilespmem:s20+$0x8A50];
	v0 =	vadd.f32 v1, v0  }
0xc5: {  	v42 =	vsub.f32 v58, v24;
	v58 =	vld [tilespmem:$0x1FEF0]  }
0xc6: {  	v41 =	vsub.f32 v59, v26;
	v59 =	vld [tilespmem:$0x1FF20];
	v1 =	vadd.f32 v48, v46;
	v47 =	vperm.xlane v0, v30  }
0xc7: {  	v62 =	vsub.f32 v52, v11;
	v52 =	vld [tilespmem:s20+$0x8610]  }
0xc8: {  	v46 =	vld [tilespmem:s20+$0x8220];
	v5 =	vperm.xlane v1, v8;
	v0 =	vadd.f32 v0, v47  }
0xc9: {  	v37 =	vsub.f32 v50, v21;
	v50 =	vsub.f32 v35, v25;
	v35 =	vld [tilespmem:s20+$0x8E00]  }
0xca: {  	v1 =	vadd.f32 v1, v5;
	v5 =	vld [tilespmem:s20+$0x8A00];
	v49 =	vperm.xlane v0, v8  }
0xcb: {  	v45 =	vsub.f32 v45, v58;
	v48 =	vld [tilespmem:s20+$0x8E20]  }
0xcc: {  	v47 =	vld [tilespmem:s20+$0x8260];
	v54 =	vperm.xlane v1, v29;
	v0 =	vadd.f32 v0, v49  }
0xcd: {  	v56 =	vmovc v7;
	v7 =	vmov v33;
	v46 =	vsub.f32 v46, v33;
	v33 =	vand.u32 $0x7FFFFFFF, v45;
	v45 =	vld [tilespmem:s20+$0x8A60]  }
0xce: {  	v1 =	vadd.f32 v1, v54;
	v54 =	vld [tilespmem:s20+$0x8240];
	v55 =	vperm.xlane v0, v29  }
0xcf: {  	v44 =	vsub.f32 v4, v61;
	v4 =	vsub.f32 v5, v15;
	v5 =	vld [tilespmem:s20+$0x8600]  }
0xd0: {  	v39 =	vperm.xlane v1, v16;
	v0 =	vadd.f32 v0, v55;
	v55 =	vld [tilespmem:s20+$0x8270]  }
0xd1: {  	v47 =	vsub.f32 v47, v9;
	v9 =	vld [tilespmem:$0x1FEA0]  }
0xd2: {  	s29 =	simm.s32 $0x200;
	s30 =	simm.s32 $0x80;
	v1 =	vadd.f32 v1, v39;
	v39 =	vsub.f32 v3, v34;
	v3 =	vld [tilespmem:s20+$0x8230];
	v51 =	vperm.xlane v0, v16  }
0xd3: {  	s21 =	sand.u32 $0x7000, s29;
	s22 =	sand.u32 $0x380, s30;
	v2 =	vsub.f32 v48, v63;
	v48 =	vsub.f32 v54, v32;
	v54 =	vld [tilespmem:s20+$0x8650]  }
0xd4: {  	s31 =	sor.u32 s22, s21;
	v46 =	vand.u32 $0x7FFFFFFF, v46;
	v1 =	vmin.f32 v36, v1;
	v0 =	vadd.f32 v0, v51;
	v51 =	vld [tilespmem:s20+$0x8E10]  }
0xd5: {  	v5 =	vsub.f32 v5, v13;
	v48 =	vand.u32 $0x7FFFFFFF, v48;
	v49 =	vsub.f32 v55, v10;
	v55 =	vld [tilespmem:s31+$0x8E50]  }
0xd6: {  	v36 =	vmin.f32 v1, v0;
	v0 =	vsub.f32 v53, v14;
	v1 =	vand.u32 $0x7FFFFFFF, v62;
	v53 =	vld [tilespmem:s20+$0x8A30]  }
0xd7: {  	v47 =	vand.u32 $0x7FFFFFFF, v47;
	v3 =	vsub.f32 v3, v28;
	v1 =	vadd.f32 v48, v1;
	v48 =	vld [tilespmem:s20+$0x8A70]  }
0xd8: {  	v62 =	vmovc v32;
	v32 =	vand.u32 $0x7FFFFFFF, v49;
	v49 =	vsub.f32 v35, v31;
	v35 =	vadd.f32 v47, v46;
	v46 =	vld [tilespmem:s20+$0x8E30]  }
0xd9: {  	v43 =	vsub.f32 v43, v17;
	v41 =	vand.u32 $0x7FFFFFFF, v41;
	v3 =	vand.u32 $0x7FFFFFFF, v3;
	v47 =	vld [tilespmem:s20+$0x8E70]  }
0xda: {  	v38 =	vsub.f32 v38, v59;
	v5 =	vand.u32 $0x7FFFFFFF, v5;
	v3 =	vadd.f32 v32, v3;
	v32 =	vld [tilespmem:s31+$0x8660]  }
0xdb: {  	v52 =	vsub.f32 v52, v12;
	v0 =	vand.u32 $0x7FFFFFFF, v0;
	v1 =	vadd.f32 v5, v1;
	v5 =	vld [tilespmem:s20+$0x8250]  }
0xdc: {  	v42 =	vand.u32 $0x7FFFFFFF, v42;
	v41 =	vadd.f32 v41, v35;
	v35 =	vld [tilespmem:$0x1FF70];
	v0 =	vadd.f32 v0, v3  }
0xdd: {  	v37 =	vand.u32 $0x7FFFFFFF, v37;
	v3 =	vld [tilespmem:s20+$0x8E60];
	v1 =	vadd.f32 v42, v1;
	v53 =	vsub.f32 v53, v23  }
0xde: {  	v42 =	vand.u32 $0x7FFFFFFF, v52;
	v52 =	vld [tilespmem:s31+$0x8E40];
	v37 =	vadd.f32 v37, v41;
	v0 =	vadd.f32 v33, v0  }
0xdf: {  	v4 =	vand.u32 $0x7FFFFFFF, v4;
	v41 =	vld [tilespmem:s31+$0x8E20];
	v48 =	vsub.f32 v48, v27;
	v47 =	vsub.f32 v47, v60  }
0xe0: {  	v38 =	vand.u32 $0x7FFFFFFF, v38;
	v60 =	vld [tilespmem:s31+$0x8620];
	v1 =	vadd.f32 v4, v1;
	v4 =	vsub.f32 v46, v57  }
0xe1: {  	v46 =	vand.u32 $0x7FFFFFFF, v53;
	v53 =	vld [tilespmem:s31+$0x8A00];
	v5 =	vsub.f32 v5, v56;
	v56 =	vadd.f32 v38, v37  }
0xe2: {  	v43 =	vand.u32 $0x7FFFFFFF, v43;
	v0 =	vadd.f32 v46, v0;
	v46 =	vld [tilespmem:s31+$0x8A50];
	v38 =	vsub.f32 v55, v34  }
0xe3: {  	v55 =	vsub.f32 v32, v21;
	v32 =	vmov v63;
	v1 =	vadd.f32 v43, v1;
	v43 =	vld [tilespmem:s31+$0x8A40]  }
0xe4: {  	v40 =	vsub.f32 v40, v22;
	v45 =	vsub.f32 v45, v19;
	v21 =	vmovc v30;
	v30 =	vmov v32;
	v32 =	vld [tilespmem:$0x1FEC0]  }
0xe5: {  	v50 =	vand.u32 $0x7FFFFFFF, v50;
	v48 =	vand.u32 $0x7FFFFFFF, v48;
	v37 =	vsub.f32 v52, v61;
	v52 =	vld [tilespmem:s31+$0x8A10]  }
0xe6: {  	v45 =	vand.u32 $0x7FFFFFFF, v45;
	v54 =	vsub.f32 v54, v18;
	v0 =	vadd.f32 v48, v0;
	v48 =	vld [tilespmem:s31+$0x8640]  }
0xe7: {  	v6 =	vsub.f32 v6, v20;
	v2 =	vand.u32 $0x7FFFFFFF, v2;
	v45 =	vadd.f32 v45, v56;
	v56 =	vld [tilespmem:s31+$0x8200]  }
0xe8: {  	v3 =	vsub.f32 v3, v35;
	v5 =	vand.u32 $0x7FFFFFFF, v5;
	v61 =	vand.u32 $0x7FFFFFFF, v54;
	v54 =	vld [tilespmem:s31+$0x8230]  }
0xe9: {  	v41 =	vsub.f32 v41, v63;
	v63 =	vand.u32 $0x7FFFFFFF, v47;
	v47 =	vld [tilespmem:s31+$0x8260];
	v5 =	vadd.f32 v5, v50  }
0xea: {  	v4 =	vand.u32 $0x7FFFFFFF, v4;
	v50 =	vld [tilespmem:s31+$0x8A20];
	v3 =	vand.u32 $0x7FFFFFFF, v3;
	v2 =	vadd.f32 v2, v45  }
0xeb: {  	v0 =	vadd.f32 v4, v0;
	v4 =	vand.u32 $0x7FFFFFFF, v49;
	v49 =	vld [tilespmem:s31+$0x8240];
	v5 =	vadd.f32 v42, v5  }
0xec: {  	v19 =	vmov v26;
	v2 =	vadd.f32 v3, v2;
	v3 =	vsub.f32 v60, v26;
	v26 =	vld [tilespmem:$0x1FEA0]  }
0xed: {  	v51 =	vsub.f32 v51, v9;
	v5 =	vadd.f32 v61, v5;
	v61 =	vld [tilespmem:s31+$0x8630]  }
0xee: {  	v1 =	vadd.f32 v4, v1;
	v45 =	vsub.f32 v52, v22;
	v52 =	vld [tilespmem:s31+$0x8670]  }
0xef: {  	v44 =	vand.u32 $0x7FFFFFFF, v44;
	v0 =	vadd.f32 v63, v0;
	v63 =	vsub.f32 v56, v11;
	v56 =	vld [tilespmem:s31+$0x8600]  }
0xf0: {  	v40 =	vand.u32 $0x7FFFFFFF, v40;
	v18 =	vmovc v20;
	v42 =	vsub.f32 v53, v15;
	v1 =	vadd.f32 v44, v1;
	v44 =	vld [tilespmem:s31+$0x8E10]  }
0xf1: {  	v6 =	vand.u32 $0x7FFFFFFF, v6;
	v46 =	vsub.f32 v46, v18;
	v22 =	vld [tilespmem:$0x1FF00];
	v5 =	vadd.f32 v40, v5  }
0xf2: {  	v33 =	vmovc v57;
	v57 =	vand.u32 $0x7FFFFFFF, v39;
	v48 =	vsub.f32 v48, v24;
	v9 =	vadd.f32 v0, v2;
	v2 =	vld [tilespmem:s31+$0x8220]  }
0xf3: {  	v60 =	vand.u32 $0x7FFFFFFF, v51;
	v5 =	vadd.f32 v6, v5;
	v6 =	vsub.f32 v61, v14;
	v61 =	vld [tilespmem:s31+$0x8270]  }
0xf4: {  	v39 =	vand.u32 $0x7FFFFFFF, v46;
	v4 =	vsub.f32 v49, v62;
	v49 =	vld [tilespmem:s31+$0x8210];
	v52 =	vsub.f32 v52, v58  }
0xf5: {  	v40 =	vand.u32 $0x7FFFFFFF, v45;
	v45 =	vld [tilespmem:s31+$0x8E70];
	v58 =	vsub.f32 v50, v59;
	v5 =	vadd.f32 v60, v5  }
0xf6: {  	v20 =	vmovc v24;
	v24 =	vmovc v62;
	v53 =	vand.u32 $0x7FFFFFFF, v63;
	v4 =	vand.u32 $0x7FFFFFFF, v4;
	v62 =	vsub.f32 v56, v13;
	v56 =	vld [tilespmem:s31+$0x8E60]  }
0xf7: {  	v4 =	vadd.f32 v4, v53;
	v46 =	vand.u32 $0x7FFFFFFF, v58;
	v58 =	vld [tilespmem:s31+$0x8610];
	v5 =	vadd.f32 v57, v5  }
0xf8: {  	v55 =	vand.u32 $0x7FFFFFFF, v55;
	v57 =	vld [tilespmem:s31+$0x8250];
	v59 =	vsub.f32 v61, v10;
	v61 =	vsub.f32 v54, v28  }
0xf9: {  	v50 =	vand.u32 $0x7FFFFFFF, v48;
	v44 =	vsub.f32 v44, v26;
	v2 =	vsub.f32 v2, v7;
	v54 =	vld [tilespmem:s31+$0x8A70]  }
0xfa: {  	v60 =	vsub.f32 v47, v22;
	v48 =	vand.u32 $0x7FFFFFFF, v59;
	v51 =	vand.u32 $0x7FFFFFFF, v61;
	v59 =	vld [tilespmem:s31+$0x8A30]  }
0xfb: {  	v49 =	vsub.f32 v49, v25;
	v53 =	vand.u32 $0x7FFFFFFF, v62;
	v61 =	vld [tilespmem:s31+$0x8E30];
	v51 =	vadd.f32 v48, v51  }
0xfc: {  	v17 =	vmovc v14;
	v6 =	vand.u32 $0x7FFFFFFF, v6;
	v48 =	vand.u32 $0x7FFFFFFF, v3;
	v3 =	vadd.f32 v53, v4;
	v4 =	vld [tilespmem:s31+$0x8E00]  }
0xfd: {  	v15 =	vmovc v13;
	v0 =	vmovc v12;
	v1 =	vadd.f32 v5, v1;
	v5 =	vadd.f32 v6, v51;
	v6 =	vand.u32 $0x7FFFFFFF, v60;
	v60 =	vld [tilespmem:s31+$0x8A60]  }
0xfe: {  	v63 =	vmovc v10;
	v13 =	vmovc v23;
	v14 =	vmov v28;
	v53 =	vadd.f32 v50, v3;
	v50 =	vsub.f32 v58, v12;
	v58 =	vld [tilespmem:s31+$0x8650]  }
0xff: {  	v2 =	vand.u32 $0x7FFFFFFF, v2;
	v47 =	vand.u32 $0x7FFFFFFF, v49;
	v10 =	vmovc v16;
	v12 =	vmovc v25;
	v25 =	vmov v18;
	v18 =	vld [tilespmem:$0x1FFB0]  }
0x100: {  	v3 =	vand.u32 $0x7FFFFFFF, v52;
	v51 =	vadd.f32 v9, v1;
	v9 =	vmovc v29;
	v29 =	vmovc v26;
	v26 =	vld [tilespmem:$0x1FFA0];
	v62 =	vadd.f32 v6, v2  }
0x101: {  	v28 =	vmovc v31;
	v16 =	vmovc v0;
	v49 =	vadd.f32 v3, v5;
	v52 =	vsub.f32 v59, v23;
	v50 =	vand.u32 $0x7FFFFFFF, v50;
	v5 =	vld [tilespmem:$0x1FF80]  }
0x102: {  	s23 =	simm.s32 $0x400;
	s20 =	simm.s32 $0x100;
	v23 =	vmovc v63;
	v59 =	vsub.f32 v4, v31;
	v31 =	vmovc v33;
	v33 =	vmov v34;
	v34 =	vmov v35;
	v35 =	vld [tilespmem:$0x1FF90]  }
.LBB2_5:
0x103: {  	s22 =	sand.u32 $0x7000, s23;
	s24 =	sand.u32 $0x380, s20  }
0x104: {  	s22 =	sor.u32 s24, s22  }
0x105: {  	v42 =	vand.u32 $0x7FFFFFFF, v42;
	v4 =	vperm.xlane v51, v21;
	v6 =	vadd.f32 v48, v62;
	v48 =	vld [tilespmem:s22+$0x8E40]  }
0x106: {  	v42 =	vadd.f32 v42, v53;
	v53 =	vand.u32 $0x7FFFFFFF, v59;
	v59 =	vld [tilespmem:s22+$0x8660]  }
0x107: {  	v4 =	vadd.f32 v51, v4;
	v51 =	vld [tilespmem:s22+$0x8A20]  }
0x108: {  	v63 =	vmov v5;
	v6 =	vadd.f32 v55, v6;
	v0 =	vsub.f32 v57, v5;
	v5 =	vld [tilespmem:s22+$0x8E50]  }
0x109: {  	v2 =	vsub.f32 v43, v26;
	v43 =	vsub.f32 v60, v18;
	v60 =	vld [tilespmem:$0x1FEE0]  }
0x10a: {  	v3 =	vsub.f32 v56, v34;
	v56 =	vld [tilespmem:s22+$0x8E20]  }
0x10b: {  	v1 =	vsub.f32 v54, v27;
	v57 =	vld [tilespmem:s22+$0x8A50];
	v6 =	vadd.f32 v46, v6  }
0x10c: {  	v55 =	vsub.f32 v61, v31;
	v46 =	vld [tilespmem:s22+$0x8A00];
	v43 =	vand.u32 $0x7FFFFFFF, v43;
	v0 =	vand.u32 $0x7FFFFFFF, v0  }
0x10d: {  	v62 =	vand.u32 $0x7FFFFFFF, v52;
	v0 =	vadd.f32 v0, v47;
	v47 =	vld [tilespmem:s22+$0x8640];
	v6 =	vadd.f32 v43, v6  }
0x10e: {  	v54 =	vsub.f32 v58, v60;
	v58 =	vand.u32 $0x7FFFFFFF, v41;
	v41 =	vadd.f32 v62, v49;
	v49 =	vld [tilespmem:s22+$0x8A10]  }
0x10f: {  	v45 =	vsub.f32 v45, v35;
	v2 =	vand.u32 $0x7FFFFFFF, v2;
	v48 =	vsub.f32 v48, v32;
	v62 =	vld [tilespmem:$0x1FF40]  }
0x110: {  	v2 =	vadd.f32 v2, v42;
	v60 =	vperm.xlane v4, v8;
	v6 =	vadd.f32 v58, v6;
	v58 =	vld [tilespmem:s22+$0x8600]  }
0x111: {  	v5 =	vsub.f32 v5, v33;
	v0 =	vadd.f32 v50, v0;
	v52 =	vand.u32 $0x7FFFFFFF, v54;
	v54 =	vld [tilespmem:s22+$0x8620]  }
0x112: {  	v1 =	vand.u32 $0x7FFFFFFF, v1;
	v2 =	vadd.f32 v53, v2;
	v4 =	vadd.f32 v4, v60;
	v60 =	vld [tilespmem:$0x1FF50]  }
0x113: {  	v3 =	vand.u32 $0x7FFFFFFF, v3;
	v1 =	vadd.f32 v1, v41;
	v41 =	vsub.f32 v56, v30;
	v56 =	vld [tilespmem:s22+$0x8230]  }
0x114: {  	v0 =	vadd.f32 v52, v0;
	v47 =	vsub.f32 v47, v20;
	v52 =	vld [tilespmem:s22+$0x8240];
	v61 =	vperm.xlane v4, v9  }
0x115: {  	v3 =	vadd.f32 v3, v6;
	v6 =	vld [tilespmem:s22+$0x8270];
	v42 =	vsub.f32 v46, v62  }
0x116: {  	v46 =	vld [tilespmem:s22+$0x8670];
	v0 =	vadd.f32 v40, v0;
	v4 =	vadd.f32 v4, v61  }
0x117: {  	v61 =	vand.u32 $0x7FFFFFFF, v55;
	v55 =	vld [tilespmem:s22+$0x8630];
	v58 =	vsub.f32 v58, v15;
	v50 =	vsub.f32 v59, v60  }
0x118: {  	v59 =	vand.u32 $0x7FFFFFFF, v38;
	v38 =	vmovc v5;
	v5 =	vld [tilespmem:s22+$0x8200];
	v1 =	vadd.f32 v61, v1;
	v61 =	vsub.f32 v57, v25  }
0x119: {  	v45 =	vand.u32 $0x7FFFFFFF, v45;
	v60 =	vld [tilespmem:$0x1FF60];
	v54 =	vsub.f32 v54, v19;
	v0 =	vadd.f32 v39, v0  }
0x11a: {  	v57 =	vand.u32 $0x7FFFFFFF, v37;
	v37 =	vmovc v48;
	v48 =	vld [tilespmem:$0x1FF20];
	v62 =	vperm.xlane v4, v10;
	v53 =	vsub.f32 v52, v24  }
0x11b: {  	v44 =	vand.u32 $0x7FFFFFFF, v44;
	v2 =	vadd.f32 v57, v2;
	v52 =	vld [tilespmem:s22+$0x8610];
	v1 =	vadd.f32 v45, v1  }
0x11c: {  	v39 =	vand.u32 $0x7FFFFFFF, v61;
	v61 =	vld [tilespmem:s22+$0x8260];
	v0 =	vadd.f32 v44, v0;
	v4 =	vadd.f32 v4, v62  }
0x11d: {  	v44 =	vand.u32 $0x7FFFFFFF, v58;
	v62 =	vld [tilespmem:$0x1FEF0];
	v55 =	vsub.f32 v55, v17;
	v1 =	vadd.f32 v1, v3  }
0x11e: {  	v58 =	vld [tilespmem:s22+$0x8A30];
	v3 =	vsub.f32 v6, v23;
	v6 =	vand.u32 $0x7FFFFFFF, v53;
	v49 =	vsub.f32 v49, v60  }
0x11f: {  	v0 =	vadd.f32 v59, v0;
	v36 =	vmin.f32 v36, v4;
	v4 =	vld [tilespmem:s22+$0x8210];
	v5 =	vsub.f32 v5, v11  }
0x120: {  	v51 =	vsub.f32 v51, v48;
	v48 =	vand.u32 $0x7FFFFFFF, v54;
	v40 =	vand.u32 $0x7FFFFFFF, v49;
	v49 =	vld [tilespmem:s22+$0x8220]  }
0x121: {  	v43 =	vld [tilespmem:s22+$0x8A40];
	v0 =	vadd.f32 v0, v2;
	v2 =	vsub.f32 v52, v16;
	v5 =	vand.u32 $0x7FFFFFFF, v5  }
0x122: {  	v57 =	vld [tilespmem:s22+$0x8250];
	v60 =	vsub.f32 v46, v62;
	v46 =	vand.u32 $0x7FFFFFFF, v51;
	v51 =	vsub.f32 v56, v14  }
0x123: {  	v3 =	vand.u32 $0x7FFFFFFF, v3;
	v53 =	vsub.f32 v61, v22;
	v5 =	vadd.f32 v6, v5;
	v6 =	vld [tilespmem:s22+$0x8E10]  }
0x124: {  	v52 =	vsub.f32 v58, v13;
	v4 =	vsub.f32 v4, v12;
	v61 =	vand.u32 $0x7FFFFFFF, v51;
	v51 =	vld [tilespmem:s22+$0x8E00]  }
0x125: {  	p1 =	sne.s32 s23, $0x7E00;
	v45 =	vld [tilespmem:s22+$0x8E70];
	v62 =	vand.u32 $0x7FFFFFFF, v47;
	v5 =	vadd.f32 v44, v5;
	v49 =	vsub.f32 v49, v7  }
.Ltmp3:
0x126: {  	v54 =	vld [tilespmem:s22+$0x8A70];
	v3 =	vadd.f32 v3, v61;
	v61 =	vand.u32 $0x7FFFFFFF, v53;
	v47 =	vand.u32 $0x7FFFFFFF, v4;
	(pc) =	sbr.rel @p1 .LBB2_5-.Ltmp3, $4  }
0x127: {  	v58 =	vld [tilespmem:s22+$0x8650];
	v53 =	vadd.f32 v62, v5;
	v4 =	vand.u32 $0x7FFFFFFF, v49;
	v49 =	vand.u32 $0x7FFFFFFF, v55  }
0x128: {  	s21 =	smov.u32 s23;
	v56 =	vld [tilespmem:s22+$0x8E60];
	v44 =	vsub.f32 v6, v29;
	v6 =	vand.u32 $0x7FFFFFFF, v60;
	v3 =	vadd.f32 v49, v3  }
0x129: {  	s21 =	sadd.s32 $0x200, s23;
	v60 =	vld [tilespmem:s22+$0x8A60];
	v55 =	vand.u32 $0x7FFFFFFF, v50;
	v59 =	vsub.f32 v51, v28;
	v62 =	vadd.f32 v61, v4  }
0x12a: {  	s20 =	sadd.s32 $0x80, s20;
	s23 =	smov.u32 s21;
	v5 =	vmovc v63;
	v50 =	vand.u32 $0x7FFFFFFF, v2;
	v61 =	vld [tilespmem:s22+$0x8E30];
	v51 =	vadd.f32 v1, v0;
	v49 =	vadd.f32 v6, v3  }
0x12b: {  	v1 =	vsub.f32 v54, v27;
	v54 =	vmov v26;
	v2 =	vsub.f32 v43, v26;
	v26 =	vld [tilespmem:$0x1FEE0]  }
0x12c: {  	v0 =	vsub.f32 v57, v5  }
0x12d: {  	v4 =	vadd.f32 v48, v62;
	v6 =	vand.u32 $0x7FFFFFFF, v42  }
0x12e: {  	v45 =	vsub.f32 v45, v35;
	v6 =	vadd.f32 v6, v53;
	v0 =	vand.u32 $0x7FFFFFFF, v0  }
0x12f: {  	v3 =	vsub.f32 v56, v34;
	v0 =	vadd.f32 v0, v47  }
0x130: {  	v4 =	vadd.f32 v55, v4;
	v33 =	vsub.f32 v58, v26  }
0x131: {  	v56 =	vand.u32 $0x7FFFFFFF, v52;
	v2 =	vand.u32 $0x7FFFFFFF, v2;
	v0 =	vadd.f32 v50, v0  }
0x132: {  	v5 =	vsub.f32 v60, v18;
	v57 =	vadd.f32 v56, v49;
	v42 =	vand.u32 $0x7FFFFFFF, v33  }
0x133: {  	v41 =	vand.u32 $0x7FFFFFFF, v41;
	v2 =	vadd.f32 v2, v6;
	v0 =	vadd.f32 v42, v0  }
0x134: {  	v1 =	vand.u32 $0x7FFFFFFF, v1;
	v55 =	vsub.f32 v61, v31;
	v4 =	vadd.f32 v46, v4  }
0x135: {  	v3 =	vand.u32 $0x7FFFFFFF, v3;
	v5 =	vand.u32 $0x7FFFFFFF, v5;
	v0 =	vadd.f32 v40, v0  }
0x136: {  	v48 =	vmovc v26;
	v26 =	vand.u32 $0x7FFFFFFF, v59;
	v1 =	vadd.f32 v1, v57;
	v4 =	vadd.f32 v5, v4  }
0x137: {  	v58 =	vand.u32 $0x7FFFFFFF, v45;
	v6 =	vand.u32 $0x7FFFFFFF, v55;
	v0 =	vadd.f32 v39, v0  }
0x138: {  	v1 =	vadd.f32 v6, v1;
	v6 =	vand.u32 $0x7FFFFFFF, v44;
	v4 =	vadd.f32 v41, v4  }
0x139: {  	v5 =	vand.u32 $0x7FFFFFFF, v38;
	v2 =	vadd.f32 v26, v2;
	v0 =	vadd.f32 v6, v0  }
0x13a: {  	v1 =	vadd.f32 v58, v1;
	v3 =	vadd.f32 v3, v4;
	v4 =	vand.u32 $0x7FFFFFFF, v37  }
0x13b: {  	v2 =	vadd.f32 v4, v2;
	v0 =	vadd.f32 v5, v0;
	_ =	sdelay $0x1  }
0x13c: {  	v1 =	vadd.f32 v1, v3;
	v0 =	vadd.f32 v0, v2;
	_ =	sdelay $0x1  }
0x13d: {  	v0 =	vadd.f32 v1, v0  }
0x13e: {  	v59 =	vperm.xlane v51, v21  }
0x13f: {  	v60 =	vperm.xlane v0, v21  }
0x140: {  	v1 =	vadd.f32 v51, v59  }
0x141: {  	v0 =	vadd.f32 v0, v60  }
0x142: {  	v61 =	vperm.xlane v1, v8  }
0x143: {  	v62 =	vperm.xlane v0, v8  }
0x144: {  	v1 =	vadd.f32 v1, v61  }
0x145: {  	v0 =	vadd.f32 v0, v62  }
0x146: {  	v2 =	vperm.xlane v1, v9  }
0x147: {  	v3 =	vperm.xlane v0, v9  }
0x148: {  	v1 =	vadd.f32 v1, v2  }
0x149: {  	v0 =	vadd.f32 v0, v3  }
0x14a: {  	v2 =	vperm.xlane v1, v10  }
.Ltmp4:
0x14b: {  	v25 =	vld [tilespmem:$0x1FF20];
	v3 =	vperm.xlane v0, v10;
	(pc) =	sbr.rel @p0 .LBB2_8-.Ltmp4, $4  }
0x14c: {  	v29 =	vld [tilespmem:$0x1FF60];
	v1 =	vadd.f32 v1, v2  }
0x14d: {  	v22 =	vld [tilespmem:$0x1FF40];
	v0 =	vadd.f32 v0, v3  }
0x14e: {  	v28 =	vld [tilespmem:$0x1FEF0];
	v1 =	vmin.f32 v36, v1  }
0x14f: {  	v30 =	vld [tilespmem:$0x1FF50];
	v36 =	vmin.f32 v1, v0  }
.Ltmp5:
0x150: {  	_ = 	snop;
	(pc) =	sbr.rel .LBB2_2-.Ltmp5, $4  }
0x151: {  	v32 =	vmov v20;
	v6 =	vmov v18;
	s19 =	sadd.s32 s19, s8  }
0x152: {  	v20 =	vmovc v17;
	v18 =	vmovc v48;
	v23 =	vmov v11;
	v1 =	vmov v12;
	v33 =	vmov v7;
	v9 =	vld [tilespmem:$0x1FF00];
	s19 =	sshrl.u32 s19, $0x3  }
0x153: {  	s18 =	sadd.s32 $0x1, s18;
	v3 =	vmovc v14;
	v17 =	vmovc v54;
	v7 =	vmov v63;
	v10 =	vld [tilespmem:$0x1FF30];
	v11 =	vmov v15;
	v12 =	vmov v16;
	s19 =	sadd.s32 s1, s19  }
0x154: {  	v5 =	vmovc v32;
	v0 =	vmovc v29;
	[tilespmem:s13], [sflag:$0x2] =	stream.linear.gather [hbm4b:s19+s3], $0x8000, $0x38;
	v8 =	vmov v28;
	v32 =	vmov v24;
	v24 =	vld [tilespmem:$0x1FF10];
	v21 =	vmov v30  }
.LBB2_9:
0x155: {  	_ =	sfence.sel $0x180000  }
0x156: {  	[bflag:$0x0] =	sbarrier.arrive $0xFFFF  }
0x157: {  	p0 =	sne.s32 s2, $0x0;
	_ =	strace $0x90000047  }
0x158: {  	s0 =	sadd.s32 @!p0 $0x100000, s0;
	[bflag:$0x2] =	sbarrier.arrive $0xFFFF  }
0x159: {  	[sflag:s0] =	ssyncadd.tile.s32 @!p0 $0x1;
	_ =	shalt  }
.Lfunc_end2:
_tile_overlayer_lowered:
.L_overlay_start_2:
0x15a: {  	(tag) =	ssettag $0x2  }
0x15b: {  	s0 =	rddreg [dreg:$0x0];
	s2 =	stileid.u32  }
0x15c: {  	s1 =	rddreg [dreg:$0x1];
	p0 =	sne.s32 s2, $0x0  }
0x15d: {  	s3 =	rddreg [dreg:$0x2];
	[bflag:$0x3] =	sbarrier.arrive $0xFFFF;
	s2 =	simm.s32 @!p0 $0x1C03  }
0x15e: {  	[timem:s3], [sflag:s2] =	dma.local @!p0 [hbm:s0], s1  }
0x15f: {  	s0 =	simm.s32 @!p0 $0x3  }
0x160: {  	_ =	swait.ge @!p0 [sflag:s0], s1  }
0x161: {  	s1 =	ssub.s32 @!p0 $0x0, s1;
	[sflag:s0] =	ssyncset.done @!p0 $0x0  }
0x162: {  	[sflag:s0] =	ssyncadd.s32 @!p0 s1  }
0x163: {  	[bflag:$0x3] =	sbarrier.arrive $0xFFFF  }
0x164: {  	_ =	shalt  }

</sc_bundles>
